<compile_context>
chip_gen: v7x
topology: tpu7x:2x2x1
jax: 0.10.2.dev20260603
libtpu: 0.0.44.dev20260713+nightly
codegen_flags: <defaults>
</compile_context>

<pallas_src>
import functools
import math

import jax
import jax.numpy as jnp
from jax import lax
from jax.experimental import pallas as pl
from jax.experimental.pallas import tpu as pltpu
from jax.experimental.pallas import tpu_sc as plsc

L = 16
NC = 2
NS = 16
NW = NC * NS
ROWS = 64
COLS = 32768
ROWS_PER_W = ROWS // NW
UNROLL = 8
CHUNK = UNROLL * L
CS = 16384
CH_PER_ROW = COLS // CS
NCH = ROWS_PER_W * CH_PER_ROW
CSTEPS = CS // CHUNK


def _pair_merge(a, b):
    a1, a2 = a
    b1, b2 = b
    return (jnp.maximum(a1, b1),
            jnp.maximum(jnp.minimum(a1, b1), jnp.maximum(a2, b2)))


def _lane_gather(x, idx):
    dn = lax.GatherDimensionNumbers(
        offset_dims=(), collapsed_slice_dims=(0,), start_index_map=(0,))
    return lax.gather(x, idx[:, None], dn, slice_sizes=(1,),
                      mode=lax.GatherScatterMode.PROMISE_IN_BOUNDS)


def _sc_second_max(p):
    mesh = plsc.VectorSubcoreMesh(core_axis_name="c", subcore_axis_name="s")

    @functools.partial(
        pl.kernel,
        mesh=mesh,
        out_type=jax.ShapeDtypeStruct((NW, L), jnp.float32),
        scratch_types=[
            pltpu.VMEM((NCH, CS), jnp.float32),
            pltpu.VMEM((L,), jnp.float32),
            pltpu.SemaphoreType.DMA,
            pltpu.SemaphoreType.DMA,
            pltpu.SemaphoreType.DMA,
            pltpu.SemaphoreType.DMA,
        ],
    )
    def k(p_hbm, out_hbm, buf_v, res_v, sem0, sem1, sem2, sem3):
        wid = lax.axis_index("s") * NC + lax.axis_index("c")
        base = wid * ROWS_PER_W
        sems = (sem0, sem1, sem2, sem3)

        handles = []
        for c in range(NCH):
            r, cc = divmod(c, CH_PER_ROW)
            handles.append(pltpu.async_copy(
                p_hbm.at[base + r, pl.ds(cc * CS, CS)],
                buf_v.at[c], sems[c]))

        neg_inf = jnp.full((L,), -jnp.inf, jnp.float32)
        lane = lax.iota(jnp.int32, L)
        res = jnp.zeros((L,), jnp.float32)

        carry = (neg_inf,) * (2 * UNROLL)
        for c in range(NCH):
            handles[c].wait()
            b = c

            def body(i, cr):
                out = []
                for j in range(UNROLL):
                    m1, m2 = cr[2 * j], cr[2 * j + 1]
                    v = buf_v[b, pl.ds(i * CHUNK + j * L, L)]
                    out.append(jnp.maximum(m1, v))
                    out.append(jnp.maximum(m2, jnp.minimum(m1, v)))
                return tuple(out)

            carry = plsc.parallel_loop(0, CSTEPS, 1, unroll=4,
                                       carry=carry)(body)

            if (c + 1) % CH_PER_ROW == 0:
                r = c // CH_PER_ROW
                pairs = [(carry[2 * j], carry[2 * j + 1])
                         for j in range(UNROLL)]
                while len(pairs) > 1:
                    pairs = [_pair_merge(pairs[t], pairs[t + 1])
                             for t in range(0, len(pairs), 2)]
                m1, m2 = pairs[0]
                for s in (8, 4, 2, 1):
                    idx = lane ^ s
                    m1, m2 = _pair_merge(
                        (m1, m2), (_lane_gather(m1, idx), _lane_gather(m2, idx)))
                res = jnp.where(lane == r, m2, res)
                carry = (neg_inf,) * (2 * UNROLL)

        res_v[...] = res
        pltpu.sync_copy(res_v, out_hbm.at[wid])

    return k(p)


def _tc_finish(xs, mu, sigma):
    def body(xs_ref, mu_ref, sigma_ref, out_ref):
        x = xs_ref[...]
        mu_v = mu_ref[0]
        sigma2 = sigma_ref[0] * sigma_ref[0]
        coef = 1.0 / jnp.sqrt(jnp.float32(2.0 * math.pi) * sigma2)
        pdf = coef - coef * jnp.exp(-((x - mu_v) ** 2) / (2.0 * sigma2))
        col = lax.broadcasted_iota(jnp.int32, (NW, L), 1)
        term = jnp.where(col < ROWS_PER_W, pdf, 0.0)
        out_ref[0] = jnp.sum(term) * jnp.float32(10.0 / ROWS)

    return pl.pallas_call(
        body,
        out_shape=jax.ShapeDtypeStruct((1,), jnp.float32),
        in_specs=[
            pl.BlockSpec(memory_space=pltpu.VMEM),
            pl.BlockSpec(memory_space=pltpu.SMEM),
            pl.BlockSpec(memory_space=pltpu.SMEM),
        ],
        out_specs=pl.BlockSpec(memory_space=pltpu.SMEM),
    )(xs, mu, sigma)


def kernel(p, mu, sigma):
    xs = _sc_second_max(p)
    return _tc_finish(xs, mu, sigma)[0]

# --- scband reference (transcript-rebuilt; emitter-appended) ---
"""Pipeline reference for scband-confused-loss-18614388261234 (READ-ONLY COPY).

The authoritative reference and input builder live on the scoring server;
editing this copy changes nothing except your own understanding.
"""

import jax, jax.numpy as jnp
import numpy as np
import math


def setup_inputs(seed: int = 0) -> dict:
    key = jax.random.key(seed)
    k1, k2 = jax.random.split(key)
    p = jax.random.normal(k1, (64, 32768), dtype=jnp.float32)
    mu = jax.random.uniform(k2, (1,), dtype=jnp.float32)
    sigma = jnp.ones((1,), dtype=jnp.float32)
    return {"p": p, "mu": mu, "sigma": sigma}


def reference(p, mu, sigma):
    pi = math.pi
    sigma2 = sigma ** 2
    # torch.topk(p, k=2)[0][i][1] -> second-largest value of each row
    top_vals, _ = jax.lax.top_k(p, 2)
    x = top_vals[:, 1]
    coef = 1.0 / jnp.sqrt(2.0 * pi * sigma2)
    norm_pdf = coef * jnp.exp(-((mu - mu) ** 2) / (2.0 * sigma2)) - coef * jnp.exp(-((x - mu) ** 2) / (2.0 * sigma2))
    p_data = norm_pdf * 10.0
    loss = jnp.sum(p_data) / p.shape[0]
    return loss

if __name__ == "__main__":
    import jax
    _d = setup_inputs()
    print(jax.jit(kernel)(*tuple(_d.values())))

</pallas_src>

<mosaic_0001>
#map = affine_map<(d0, d1) -> (0, 0)>
module attributes {stable_mosaic.version = 14 : i64} {
  func.func @k(%arg0: i32, %arg1: i32, %arg2: memref<64x32768xf32, #tpu.memory_space<hbm>>, %arg3: memref<32x16xf32, #tpu.memory_space<hbm>>, %arg4: memref<4x16384xf32, #tpu.memory_space<vmem>>, %arg5: memref<16xf32, #tpu.memory_space<vmem>>, %arg6: memref<!tpu.dma_semaphore, #tpu.memory_space<semaphore_mem>>, %arg7: memref<!tpu.dma_semaphore, #tpu.memory_space<semaphore_mem>>, %arg8: memref<!tpu.dma_semaphore, #tpu.memory_space<semaphore_mem>>, %arg9: memref<!tpu.dma_semaphore, #tpu.memory_space<semaphore_mem>>) attributes {dimension_semantics = [#tpu.dimension_semantics<core_parallel>, #tpu.dimension_semantics<subcore_parallel>], iteration_bounds = array<i64: 2, 16>, scalar_prefetch = 0 : i64, scratch_operands = 6 : i64, tpu.core_type = #tpu.core_type<sc_vector_subcore>, window_params = [{transform_indices = #map}, {transform_indices = #map}]} {
    %mul3A = arith.constant 2 : i32
    %mul3A_0 = arith.muli %arg1, %mul3A : i32
    %add3A = arith.addi %mul3A_0, %arg0 : i32
    %mul3A_1 = arith.constant 2 : i32
    %mul3A_2 = arith.muli %add3A, %mul3A_1 : i32
    %add3A_3 = arith.constant 0 : i32
    %add3A_4 = arith.addi %mul3A_2, %add3A_3 : i32
    %dma_start3A = arith.constant 0 : i32
    %dma_start3A_5 = arith.constant 0 : i32
    %dma_start3A_6 = tpu.memref_slice %arg4[%dma_start3A, %dma_start3A_5] : memref<4x16384xf32, #tpu.memory_space<vmem>> -> memref<1x16384xf32, #tpu.memory_space<vmem>>
    %dma_start3A_7 = tpu.memref_squeeze %dma_start3A_6 : memref<1x16384xf32, #tpu.memory_space<vmem>> -> memref<16384xf32, #tpu.memory_space<vmem>>
    %dma_start3A_8 = arith.constant 0 : i32
    %dma_start3A_9 = tpu.memref_slice %arg2[%add3A_4, %dma_start3A_8] : memref<64x32768xf32, #tpu.memory_space<hbm>> -> memref<1x16384xf32, #tpu.memory_space<hbm>>
    %dma_start3A_10 = tpu.memref_squeeze %dma_start3A_9 : memref<1x16384xf32, #tpu.memory_space<hbm>> -> memref<16384xf32, #tpu.memory_space<hbm>>
    %dma_start3A_11 = arith.constant 0 : i32
    %dma_start3A_12 = tpu.memref_slice %arg4[%dma_start3A, %dma_start3A_11] : memref<4x16384xf32, #tpu.memory_space<vmem>> -> memref<1x16384xf32, #tpu.memory_space<vmem>>
    %dma_start3A_13 = tpu.memref_squeeze %dma_start3A_12 : memref<1x16384xf32, #tpu.memory_space<vmem>> -> memref<16384xf32, #tpu.memory_space<vmem>>
    %dma_start3A_14 = arith.constant 0 : i32
    %dma_start3A_15 = tpu.memref_slice %arg2[%add3A_4, %dma_start3A_14] : memref<64x32768xf32, #tpu.memory_space<hbm>> -> memref<1x16384xf32, #tpu.memory_space<hbm>>
    %dma_start3A_16 = tpu.memref_squeeze %dma_start3A_15 : memref<1x16384xf32, #tpu.memory_space<hbm>> -> memref<16384xf32, #tpu.memory_space<hbm>>
    tpu.enqueue_dma source(%dma_start3A_16 : memref<16384xf32, #tpu.memory_space<hbm>>) target(%dma_start3A_13 : memref<16384xf32, #tpu.memory_space<vmem>>) target_semaphore(%arg6 : memref<!tpu.dma_semaphore, #tpu.memory_space<semaphore_mem>>)
    %add3A_17 = arith.constant 0 : i32
    %add3A_18 = arith.addi %mul3A_2, %add3A_17 : i32
    %dma_start3A_19 = arith.constant 1 : i32
    %dma_start3A_20 = arith.constant 0 : i32
    %dma_start3A_21 = tpu.memref_slice %arg4[%dma_start3A_19, %dma_start3A_20] : memref<4x16384xf32, #tpu.memory_space<vmem>> -> memref<1x16384xf32, #tpu.memory_space<vmem>>
    %dma_start3A_22 = tpu.memref_squeeze %dma_start3A_21 : memref<1x16384xf32, #tpu.memory_space<vmem>> -> memref<16384xf32, #tpu.memory_space<vmem>>
    %dma_start3A_23 = arith.constant 16384 : i32
    %dma_start3A_24 = tpu.memref_slice %arg2[%add3A_18, %dma_start3A_23] : memref<64x32768xf32, #tpu.memory_space<hbm>> -> memref<1x16384xf32, #tpu.memory_space<hbm>>
    %dma_start3A_25 = tpu.memref_squeeze %dma_start3A_24 : memref<1x16384xf32, #tpu.memory_space<hbm>> -> memref<16384xf32, #tpu.memory_space<hbm>>
    %dma_start3A_26 = arith.constant 0 : i32
    %dma_start3A_27 = tpu.memref_slice %arg4[%dma_start3A_19, %dma_start3A_26] : memref<4x16384xf32, #tpu.memory_space<vmem>> -> memref<1x16384xf32, #tpu.memory_space<vmem>>
    %dma_start3A_28 = tpu.memref_squeeze %dma_start3A_27 : memref<1x16384xf32, #tpu.memory_space<vmem>> -> memref<16384xf32, #tpu.memory_space<vmem>>
    %dma_start3A_29 = arith.constant 16384 : i32
    %dma_start3A_30 = tpu.memref_slice %arg2[%add3A_18, %dma_start3A_29] : memref<64x32768xf32, #tpu.memory_space<hbm>> -> memref<1x16384xf32, #tpu.memory_space<hbm>>
    %dma_start3A_31 = tpu.memref_squeeze %dma_start3A_30 : memref<1x16384xf32, #tpu.memory_space<hbm>> -> memref<16384xf32, #tpu.memory_space<hbm>>
    tpu.enqueue_dma source(%dma_start3A_31 : memref<16384xf32, #tpu.memory_space<hbm>>) target(%dma_start3A_28 : memref<16384xf32, #tpu.memory_space<vmem>>) target_semaphore(%arg7 : memref<!tpu.dma_semaphore, #tpu.memory_space<semaphore_mem>>)
    %add3A_32 = arith.constant 1 : i32
    %add3A_33 = arith.addi %mul3A_2, %add3A_32 : i32
    %dma_start3A_34 = arith.constant 2 : i32
    %dma_start3A_35 = arith.constant 0 : i32
    %dma_start3A_36 = tpu.memref_slice %arg4[%dma_start3A_34, %dma_start3A_35] : memref<4x16384xf32, #tpu.memory_space<vmem>> -> memref<1x16384xf32, #tpu.memory_space<vmem>>
    %dma_start3A_37 = tpu.memref_squeeze %dma_start3A_36 : memref<1x16384xf32, #tpu.memory_space<vmem>> -> memref<16384xf32, #tpu.memory_space<vmem>>
    %dma_start3A_38 = arith.constant 0 : i32
    %dma_start3A_39 = tpu.memref_slice %arg2[%add3A_33, %dma_start3A_38] : memref<64x32768xf32, #tpu.memory_space<hbm>> -> memref<1x16384xf32, #tpu.memory_space<hbm>>
    %dma_start3A_40 = tpu.memref_squeeze %dma_start3A_39 : memref<1x16384xf32, #tpu.memory_space<hbm>> -> memref<16384xf32, #tpu.memory_space<hbm>>
    %dma_start3A_41 = arith.constant 0 : i32
    %dma_start3A_42 = tpu.memref_slice %arg4[%dma_start3A_34, %dma_start3A_41] : memref<4x16384xf32, #tpu.memory_space<vmem>> -> memref<1x16384xf32, #tpu.memory_space<vmem>>
    %dma_start3A_43 = tpu.memref_squeeze %dma_start3A_42 : memref<1x16384xf32, #tpu.memory_space<vmem>> -> memref<16384xf32, #tpu.memory_space<vmem>>
    %dma_start3A_44 = arith.constant 0 : i32
    %dma_start3A_45 = tpu.memref_slice %arg2[%add3A_33, %dma_start3A_44] : memref<64x32768xf32, #tpu.memory_space<hbm>> -> memref<1x16384xf32, #tpu.memory_space<hbm>>
    %dma_start3A_46 = tpu.memref_squeeze %dma_start3A_45 : memref<1x16384xf32, #tpu.memory_space<hbm>> -> memref<16384xf32, #tpu.memory_space<hbm>>
    tpu.enqueue_dma source(%dma_start3A_46 : memref<16384xf32, #tpu.memory_space<hbm>>) target(%dma_start3A_43 : memref<16384xf32, #tpu.memory_space<vmem>>) target_semaphore(%arg8 : memref<!tpu.dma_semaphore, #tpu.memory_space<semaphore_mem>>)
    %add3A_47 = arith.constant 1 : i32
    %add3A_48 = arith.addi %mul3A_2, %add3A_47 : i32
    %dma_start3A_49 = arith.constant 3 : i32
    %dma_start3A_50 = arith.constant 0 : i32
    %dma_start3A_51 = tpu.memref_slice %arg4[%dma_start3A_49, %dma_start3A_50] : memref<4x16384xf32, #tpu.memory_space<vmem>> -> memref<1x16384xf32, #tpu.memory_space<vmem>>
    %dma_start3A_52 = tpu.memref_squeeze %dma_start3A_51 : memref<1x16384xf32, #tpu.memory_space<vmem>> -> memref<16384xf32, #tpu.memory_space<vmem>>
    %dma_start3A_53 = arith.constant 16384 : i32
    %dma_start3A_54 = tpu.memref_slice %arg2[%add3A_48, %dma_start3A_53] : memref<64x32768xf32, #tpu.memory_space<hbm>> -> memref<1x16384xf32, #tpu.memory_space<hbm>>
    %dma_start3A_55 = tpu.memref_squeeze %dma_start3A_54 : memref<1x16384xf32, #tpu.memory_space<hbm>> -> memref<16384xf32, #tpu.memory_space<hbm>>
    %dma_start3A_56 = arith.constant 0 : i32
    %dma_start3A_57 = tpu.memref_slice %arg4[%dma_start3A_49, %dma_start3A_56] : memref<4x16384xf32, #tpu.memory_space<vmem>> -> memref<1x16384xf32, #tpu.memory_space<vmem>>
    %dma_start3A_58 = tpu.memref_squeeze %dma_start3A_57 : memref<1x16384xf32, #tpu.memory_space<vmem>> -> memref<16384xf32, #tpu.memory_space<vmem>>
    %dma_start3A_59 = arith.constant 16384 : i32
    %dma_start3A_60 = tpu.memref_slice %arg2[%add3A_48, %dma_start3A_59] : memref<64x32768xf32, #tpu.memory_space<hbm>> -> memref<1x16384xf32, #tpu.memory_space<hbm>>
    %dma_start3A_61 = tpu.memref_squeeze %dma_start3A_60 : memref<1x16384xf32, #tpu.memory_space<hbm>> -> memref<16384xf32, #tpu.memory_space<hbm>>
    tpu.enqueue_dma source(%dma_start3A_61 : memref<16384xf32, #tpu.memory_space<hbm>>) target(%dma_start3A_58 : memref<16384xf32, #tpu.memory_space<vmem>>) target_semaphore(%arg9 : memref<!tpu.dma_semaphore, #tpu.memory_space<semaphore_mem>>)
    %broadcast_in_dim3A = arith.constant 0xFF800000 : f32
    %broadcast_in_dim3A_62 = vector.broadcast %broadcast_in_dim3A : f32 to vector<16xf32>
    %iota3A = tpu.iota {dimensions = array<i32: 0>} : vector<16xi32>
    %broadcast_in_dim3A_63 = arith.constant 0.000000e+00 : f32
    %broadcast_in_dim3A_64 = vector.broadcast %broadcast_in_dim3A_63 : f32 to vector<16xf32>
    %dma_wait3A = arith.constant 0 : i32
    %dma_wait3A_65 = arith.constant 0 : i32
    %dma_wait3A_66 = tpu.memref_slice %arg4[%dma_wait3A, %dma_wait3A_65] : memref<4x16384xf32, #tpu.memory_space<vmem>> -> memref<1x16384xf32, #tpu.memory_space<vmem>>
    %dma_wait3A_67 = tpu.memref_squeeze %dma_wait3A_66 : memref<1x16384xf32, #tpu.memory_space<vmem>> -> memref<16384xf32, #tpu.memory_space<vmem>>
    %dma_wait3A_68 = arith.constant 0 : i32
    %dma_wait3A_69 = tpu.memref_slice %arg2[%add3A_4, %dma_wait3A_68] : memref<64x32768xf32, #tpu.memory_space<hbm>> -> memref<1x16384xf32, #tpu.memory_space<hbm>>
    %dma_wait3A_70 = tpu.memref_squeeze %dma_wait3A_69 : memref<1x16384xf32, #tpu.memory_space<hbm>> -> memref<16384xf32, #tpu.memory_space<hbm>>
    %dma_wait3A_71 = arith.constant 0 : i32
    %dma_wait3A_72 = tpu.memref_slice %arg4[%dma_wait3A, %dma_wait3A_71] : memref<4x16384xf32, #tpu.memory_space<vmem>> -> memref<1x16384xf32, #tpu.memory_space<vmem>>
    %dma_wait3A_73 = tpu.memref_squeeze %dma_wait3A_72 : memref<1x16384xf32, #tpu.memory_space<vmem>> -> memref<16384xf32, #tpu.memory_space<vmem>>
    %dma_wait3A_74 = arith.constant 0 : i32
    %dma_wait3A_75 = tpu.memref_slice %arg2[%add3A_4, %dma_wait3A_74] : memref<64x32768xf32, #tpu.memory_space<hbm>> -> memref<1x16384xf32, #tpu.memory_space<hbm>>
    %dma_wait3A_76 = tpu.memref_squeeze %dma_wait3A_75 : memref<1x16384xf32, #tpu.memory_space<hbm>> -> memref<16384xf32, #tpu.memory_space<hbm>>
    tpu.wait_dma2 semaphore(%arg6 : memref<!tpu.dma_semaphore, #tpu.memory_space<semaphore_mem>>) src(%dma_wait3A_76 : memref<16384xf32, #tpu.memory_space<hbm>>) dst(%dma_wait3A_73 : memref<16384xf32, #tpu.memory_space<vmem>>)
    %parallel_loop3A = arith.constant 0 : i32
    %parallel_loop3A_77 = arith.constant 128 : i32
    %parallel_loop3A_78 = arith.constant 1 : i32
    %parallel_loop3A_79:16 = scf.for %parallel_loop3A_296 = %parallel_loop3A to %parallel_loop3A_77 step %parallel_loop3A_78 iter_args(%parallel_loop3A_297 = %broadcast_in_dim3A_62, %parallel_loop3A_298 = %broadcast_in_dim3A_62, %parallel_loop3A_299 = %broadcast_in_dim3A_62, %parallel_loop3A_300 = %broadcast_in_dim3A_62, %parallel_loop3A_301 = %broadcast_in_dim3A_62, %parallel_loop3A_302 = %broadcast_in_dim3A_62, %parallel_loop3A_303 = %broadcast_in_dim3A_62, %parallel_loop3A_304 = %broadcast_in_dim3A_62, %parallel_loop3A_305 = %broadcast_in_dim3A_62, %parallel_loop3A_306 = %broadcast_in_dim3A_62, %parallel_loop3A_307 = %broadcast_in_dim3A_62, %parallel_loop3A_308 = %broadcast_in_dim3A_62, %parallel_loop3A_309 = %broadcast_in_dim3A_62, %parallel_loop3A_310 = %broadcast_in_dim3A_62, %parallel_loop3A_311 = %broadcast_in_dim3A_62, %parallel_loop3A_312 = %broadcast_in_dim3A_62) -> (vector<16xf32>, vector<16xf32>, vector<16xf32>, vector<16xf32>, vector<16xf32>, vector<16xf32>, vector<16xf32>, vector<16xf32>, vector<16xf32>, vector<16xf32>, vector<16xf32>, vector<16xf32>, vector<16xf32>, vector<16xf32>, vector<16xf32>, vector<16xf32>)  : i32 {
      %parallel_loop3A_313 = arith.constant 128 : i32
      %parallel_loop3A_314 = arith.muli %parallel_loop3A_296, %parallel_loop3A_313 : i32
      %parallel_loop3A_315 = arith.constant 0 : i32
      %parallel_loop3A_316 = arith.addi %parallel_loop3A_314, %parallel_loop3A_315 : i32
      %parallel_loop3A_317 = arith.constant 0 : i32
      %parallel_loop3A_318 = arith.index_cast %parallel_loop3A_317 : i32 to index
      %parallel_loop3A_319 = arith.index_cast %parallel_loop3A_316 : i32 to index
      %parallel_loop3A_320 = tpu.vector_load %arg4[%parallel_loop3A_318, %parallel_loop3A_319] {strides = array<i32>} : memref<4x16384xf32, #tpu.memory_space<vmem>>, vector<1x16xf32>,
      %parallel_loop3A_321 = vector.shape_cast %parallel_loop3A_320 : vector<1x16xf32> to vector<16xf32>
      %parallel_loop3A_322 = arith.maximumf %parallel_loop3A_297, %parallel_loop3A_321 : vector<16xf32>
      %parallel_loop3A_323 = arith.minimumf %parallel_loop3A_297, %parallel_loop3A_321 : vector<16xf32>
      %parallel_loop3A_324 = arith.maximumf %parallel_loop3A_298, %parallel_loop3A_323 : vector<16xf32>
      %parallel_loop3A_325 = arith.constant 128 : i32
      %parallel_loop3A_326 = arith.muli %parallel_loop3A_296, %parallel_loop3A_325 : i32
      %parallel_loop3A_327 = arith.constant 16 : i32
      %parallel_loop3A_328 = arith.addi %parallel_loop3A_326, %parallel_loop3A_327 : i32
      %parallel_loop3A_329 = arith.constant 0 : i32
      %parallel_loop3A_330 = arith.index_cast %parallel_loop3A_329 : i32 to index
      %parallel_loop3A_331 = arith.index_cast %parallel_loop3A_328 : i32 to index
      %parallel_loop3A_332 = tpu.vector_load %arg4[%parallel_loop3A_330, %parallel_loop3A_331] {strides = array<i32>} : memref<4x16384xf32, #tpu.memory_space<vmem>>, vector<1x16xf32>,
      %parallel_loop3A_333 = vector.shape_cast %parallel_loop3A_332 : vector<1x16xf32> to vector<16xf32>
      %parallel_loop3A_334 = arith.maximumf %parallel_loop3A_299, %parallel_loop3A_333 : vector<16xf32>
      %parallel_loop3A_335 = arith.minimumf %parallel_loop3A_299, %parallel_loop3A_333 : vector<16xf32>
      %parallel_loop3A_336 = arith.maximumf %parallel_loop3A_300, %parallel_loop3A_335 : vector<16xf32>
      %parallel_loop3A_337 = arith.constant 128 : i32
      %parallel_loop3A_338 = arith.muli %parallel_loop3A_296, %parallel_loop3A_337 : i32
      %parallel_loop3A_339 = arith.constant 32 : i32
      %parallel_loop3A_340 = arith.addi %parallel_loop3A_338, %parallel_loop3A_339 : i32
      %parallel_loop3A_341 = arith.constant 0 : i32
      %parallel_loop3A_342 = arith.index_cast %parallel_loop3A_341 : i32 to index
      %parallel_loop3A_343 = arith.index_cast %parallel_loop3A_340 : i32 to index
      %parallel_loop3A_344 = tpu.vector_load %arg4[%parallel_loop3A_342, %parallel_loop3A_343] {strides = array<i32>} : memref<4x16384xf32, #tpu.memory_space<vmem>>, vector<1x16xf32>,
      %parallel_loop3A_345 = vector.shape_cast %parallel_loop3A_344 : vector<1x16xf32> to vector<16xf32>
      %parallel_loop3A_346 = arith.maximumf %parallel_loop3A_301, %parallel_loop3A_345 : vector<16xf32>
      %parallel_loop3A_347 = arith.minimumf %parallel_loop3A_301, %parallel_loop3A_345 : vector<16xf32>
      %parallel_loop3A_348 = arith.maximumf %parallel_loop3A_302, %parallel_loop3A_347 : vector<16xf32>
      %parallel_loop3A_349 = arith.constant 128 : i32
      %parallel_loop3A_350 = arith.muli %parallel_loop3A_296, %parallel_loop3A_349 : i32
      %parallel_loop3A_351 = arith.constant 48 : i32
      %parallel_loop3A_352 = arith.addi %parallel_loop3A_350, %parallel_loop3A_351 : i32
      %parallel_loop3A_353 = arith.constant 0 : i32
      %parallel_loop3A_354 = arith.index_cast %parallel_loop3A_353 : i32 to index
      %parallel_loop3A_355 = arith.index_cast %parallel_loop3A_352 : i32 to index
      %parallel_loop3A_356 = tpu.vector_load %arg4[%parallel_loop3A_354, %parallel_loop3A_355] {strides = array<i32>} : memref<4x16384xf32, #tpu.memory_space<vmem>>, vector<1x16xf32>,
      %parallel_loop3A_357 = vector.shape_cast %parallel_loop3A_356 : vector<1x16xf32> to vector<16xf32>
      %parallel_loop3A_358 = arith.maximumf %parallel_loop3A_303, %parallel_loop3A_357 : vector<16xf32>
      %parallel_loop3A_359 = arith.minimumf %parallel_loop3A_303, %parallel_loop3A_357 : vector<16xf32>
      %parallel_loop3A_360 = arith.maximumf %parallel_loop3A_304, %parallel_loop3A_359 : vector<16xf32>
      %parallel_loop3A_361 = arith.constant 128 : i32
      %parallel_loop3A_362 = arith.muli %parallel_loop3A_296, %parallel_loop3A_361 : i32
      %parallel_loop3A_363 = arith.constant 64 : i32
      %parallel_loop3A_364 = arith.addi %parallel_loop3A_362, %parallel_loop3A_363 : i32
      %parallel_loop3A_365 = arith.constant 0 : i32
      %parallel_loop3A_366 = arith.index_cast %parallel_loop3A_365 : i32 to index
      %parallel_loop3A_367 = arith.index_cast %parallel_loop3A_364 : i32 to index
      %parallel_loop3A_368 = tpu.vector_load %arg4[%parallel_loop3A_366, %parallel_loop3A_367] {strides = array<i32>} : memref<4x16384xf32, #tpu.memory_space<vmem>>, vector<1x16xf32>,
      %parallel_loop3A_369 = vector.shape_cast %parallel_loop3A_368 : vector<1x16xf32> to vector<16xf32>
      %parallel_loop3A_370 = arith.maximumf %parallel_loop3A_305, %parallel_loop3A_369 : vector<16xf32>
      %parallel_loop3A_371 = arith.minimumf %parallel_loop3A_305, %parallel_loop3A_369 : vector<16xf32>
      %parallel_loop3A_372 = arith.maximumf %parallel_loop3A_306, %parallel_loop3A_371 : vector<16xf32>
      %parallel_loop3A_373 = arith.constant 128 : i32
      %parallel_loop3A_374 = arith.muli %parallel_loop3A_296, %parallel_loop3A_373 : i32
      %parallel_loop3A_375 = arith.constant 80 : i32
      %parallel_loop3A_376 = arith.addi %parallel_loop3A_374, %parallel_loop3A_375 : i32
      %parallel_loop3A_377 = arith.constant 0 : i32
      %parallel_loop3A_378 = arith.index_cast %parallel_loop3A_377 : i32 to index
      %parallel_loop3A_379 = arith.index_cast %parallel_loop3A_376 : i32 to index
      %parallel_loop3A_380 = tpu.vector_load %arg4[%parallel_loop3A_378, %parallel_loop3A_379] {strides = array<i32>} : memref<4x16384xf32, #tpu.memory_space<vmem>>, vector<1x16xf32>,
      %parallel_loop3A_381 = vector.shape_cast %parallel_loop3A_380 : vector<1x16xf32> to vector<16xf32>
      %parallel_loop3A_382 = arith.maximumf %parallel_loop3A_307, %parallel_loop3A_381 : vector<16xf32>
      %parallel_loop3A_383 = arith.minimumf %parallel_loop3A_307, %parallel_loop3A_381 : vector<16xf32>
      %parallel_loop3A_384 = arith.maximumf %parallel_loop3A_308, %parallel_loop3A_383 : vector<16xf32>
      %parallel_loop3A_385 = arith.constant 128 : i32
      %parallel_loop3A_386 = arith.muli %parallel_loop3A_296, %parallel_loop3A_385 : i32
      %parallel_loop3A_387 = arith.constant 96 : i32
      %parallel_loop3A_388 = arith.addi %parallel_loop3A_386, %parallel_loop3A_387 : i32
      %parallel_loop3A_389 = arith.constant 0 : i32
      %parallel_loop3A_390 = arith.index_cast %parallel_loop3A_389 : i32 to index
      %parallel_loop3A_391 = arith.index_cast %parallel_loop3A_388 : i32 to index
      %parallel_loop3A_392 = tpu.vector_load %arg4[%parallel_loop3A_390, %parallel_loop3A_391] {strides = array<i32>} : memref<4x16384xf32, #tpu.memory_space<vmem>>, vector<1x16xf32>,
      %parallel_loop3A_393 = vector.shape_cast %parallel_loop3A_392 : vector<1x16xf32> to vector<16xf32>
      %parallel_loop3A_394 = arith.maximumf %parallel_loop3A_309, %parallel_loop3A_393 : vector<16xf32>
      %parallel_loop3A_395 = arith.minimumf %parallel_loop3A_309, %parallel_loop3A_393 : vector<16xf32>
      %parallel_loop3A_396 = arith.maximumf %parallel_loop3A_310, %parallel_loop3A_395 : vector<16xf32>
      %parallel_loop3A_397 = arith.constant 128 : i32
      %parallel_loop3A_398 = arith.muli %parallel_loop3A_296, %parallel_loop3A_397 : i32
      %parallel_loop3A_399 = arith.constant 112 : i32
      %parallel_loop3A_400 = arith.addi %parallel_loop3A_398, %parallel_loop3A_399 : i32
      %parallel_loop3A_401 = arith.constant 0 : i32
      %parallel_loop3A_402 = arith.index_cast %parallel_loop3A_401 : i32 to index
      %parallel_loop3A_403 = arith.index_cast %parallel_loop3A_400 : i32 to index
      %parallel_loop3A_404 = tpu.vector_load %arg4[%parallel_loop3A_402, %parallel_loop3A_403] {strides = array<i32>} : memref<4x16384xf32, #tpu.memory_space<vmem>>, vector<1x16xf32>,
      %parallel_loop3A_405 = vector.shape_cast %parallel_loop3A_404 : vector<1x16xf32> to vector<16xf32>
      %parallel_loop3A_406 = arith.maximumf %parallel_loop3A_311, %parallel_loop3A_405 : vector<16xf32>
      %parallel_loop3A_407 = arith.minimumf %parallel_loop3A_311, %parallel_loop3A_405 : vector<16xf32>
      %parallel_loop3A_408 = arith.maximumf %parallel_loop3A_312, %parallel_loop3A_407 : vector<16xf32>
      scf.yield %parallel_loop3A_322, %parallel_loop3A_324, %parallel_loop3A_334, %parallel_loop3A_336, %parallel_loop3A_346, %parallel_loop3A_348, %parallel_loop3A_358, %parallel_loop3A_360, %parallel_loop3A_370, %parallel_loop3A_372, %parallel_loop3A_382, %parallel_loop3A_384, %parallel_loop3A_394, %parallel_loop3A_396, %parallel_loop3A_406, %parallel_loop3A_408 : vector<16xf32>, vector<16xf32>, vector<16xf32>, vector<16xf32>, vector<16xf32>, vector<16xf32>, vector<16xf32>, vector<16xf32>, vector<16xf32>, vector<16xf32>, vector<16xf32>, vector<16xf32>, vector<16xf32>, vector<16xf32>, vector<16xf32>, vector<16xf32>
    } {sc.loop_unroll_factor = 4 : i64, sc.parallel_access}
    %dma_wait3A_80 = arith.constant 1 : i32
    %dma_wait3A_81 = arith.constant 0 : i32
    %dma_wait3A_82 = tpu.memref_slice %arg4[%dma_wait3A_80, %dma_wait3A_81] : memref<4x16384xf32, #tpu.memory_space<vmem>> -> memref<1x16384xf32, #tpu.memory_space<vmem>>
    %dma_wait3A_83 = tpu.memref_squeeze %dma_wait3A_82 : memref<1x16384xf32, #tpu.memory_space<vmem>> -> memref<16384xf32, #tpu.memory_space<vmem>>
    %dma_wait3A_84 = arith.constant 16384 : i32
    %dma_wait3A_85 = tpu.memref_slice %arg2[%add3A_18, %dma_wait3A_84] : memref<64x32768xf32, #tpu.memory_space<hbm>> -> memref<1x16384xf32, #tpu.memory_space<hbm>>
    %dma_wait3A_86 = tpu.memref_squeeze %dma_wait3A_85 : memref<1x16384xf32, #tpu.memory_space<hbm>> -> memref<16384xf32, #tpu.memory_space<hbm>>
    %dma_wait3A_87 = arith.constant 0 : i32
    %dma_wait3A_88 = tpu.memref_slice %arg4[%dma_wait3A_80, %dma_wait3A_87] : memref<4x16384xf32, #tpu.memory_space<vmem>> -> memref<1x16384xf32, #tpu.memory_space<vmem>>
    %dma_wait3A_89 = tpu.memref_squeeze %dma_wait3A_88 : memref<1x16384xf32, #tpu.memory_space<vmem>> -> memref<16384xf32, #tpu.memory_space<vmem>>
    %dma_wait3A_90 = arith.constant 16384 : i32
    %dma_wait3A_91 = tpu.memref_slice %arg2[%add3A_18, %dma_wait3A_90] : memref<64x32768xf32, #tpu.memory_space<hbm>> -> memref<1x16384xf32, #tpu.memory_space<hbm>>
    %dma_wait3A_92 = tpu.memref_squeeze %dma_wait3A_91 : memref<1x16384xf32, #tpu.memory_space<hbm>> -> memref<16384xf32, #tpu.memory_space<hbm>>
    tpu.wait_dma2 semaphore(%arg7 : memref<!tpu.dma_semaphore, #tpu.memory_space<semaphore_mem>>) src(%dma_wait3A_92 : memref<16384xf32, #tpu.memory_space<hbm>>) dst(%dma_wait3A_89 : memref<16384xf32, #tpu.memory_space<vmem>>)
    %parallel_loop3A_93 = arith.constant 0 : i32
    %parallel_loop3A_94 = arith.constant 128 : i32
    %parallel_loop3A_95 = arith.constant 1 : i32
    %parallel_loop3A_96:16 = scf.for %parallel_loop3A_296 = %parallel_loop3A_93 to %parallel_loop3A_94 step %parallel_loop3A_95 iter_args(%parallel_loop3A_297 = %parallel_loop3A_79#0, %parallel_loop3A_298 = %parallel_loop3A_79#1, %parallel_loop3A_299 = %parallel_loop3A_79#2, %parallel_loop3A_300 = %parallel_loop3A_79#3, %parallel_loop3A_301 = %parallel_loop3A_79#4, %parallel_loop3A_302 = %parallel_loop3A_79#5, %parallel_loop3A_303 = %parallel_loop3A_79#6, %parallel_loop3A_304 = %parallel_loop3A_79#7, %parallel_loop3A_305 = %parallel_loop3A_79#8, %parallel_loop3A_306 = %parallel_loop3A_79#9, %parallel_loop3A_307 = %parallel_loop3A_79#10, %parallel_loop3A_308 = %parallel_loop3A_79#11, %parallel_loop3A_309 = %parallel_loop3A_79#12, %parallel_loop3A_310 = %parallel_loop3A_79#13, %parallel_loop3A_311 = %parallel_loop3A_79#14, %parallel_loop3A_312 = %parallel_loop3A_79#15) -> (vector<16xf32>, vector<16xf32>, vector<16xf32>, vector<16xf32>, vector<16xf32>, vector<16xf32>, vector<16xf32>, vector<16xf32>, vector<16xf32>, vector<16xf32>, vector<16xf32>, vector<16xf32>, vector<16xf32>, vector<16xf32>, vector<16xf32>, vector<16xf32>)  : i32 {
      %parallel_loop3A_313 = arith.constant 128 : i32
      %parallel_loop3A_314 = arith.muli %parallel_loop3A_296, %parallel_loop3A_313 : i32
      %parallel_loop3A_315 = arith.constant 0 : i32
      %parallel_loop3A_316 = arith.addi %parallel_loop3A_314, %parallel_loop3A_315 : i32
      %parallel_loop3A_317 = arith.constant 1 : i32
      %parallel_loop3A_318 = arith.index_cast %parallel_loop3A_317 : i32 to index
      %parallel_loop3A_319 = arith.index_cast %parallel_loop3A_316 : i32 to index
      %parallel_loop3A_320 = tpu.vector_load %arg4[%parallel_loop3A_318, %parallel_loop3A_319] {strides = array<i32>} : memref<4x16384xf32, #tpu.memory_space<vmem>>, vector<1x16xf32>,
      %parallel_loop3A_321 = vector.shape_cast %parallel_loop3A_320 : vector<1x16xf32> to vector<16xf32>
      %parallel_loop3A_322 = arith.maximumf %parallel_loop3A_297, %parallel_loop3A_321 : vector<16xf32>
      %parallel_loop3A_323 = arith.minimumf %parallel_loop3A_297, %parallel_loop3A_321 : vector<16xf32>
      %parallel_loop3A_324 = arith.maximumf %parallel_loop3A_298, %parallel_loop3A_323 : vector<16xf32>
      %parallel_loop3A_325 = arith.constant 128 : i32
      %parallel_loop3A_326 = arith.muli %parallel_loop3A_296, %parallel_loop3A_325 : i32
      %parallel_loop3A_327 = arith.constant 16 : i32
      %parallel_loop3A_328 = arith.addi %parallel_loop3A_326, %parallel_loop3A_327 : i32
      %parallel_loop3A_329 = arith.constant 1 : i32
      %parallel_loop3A_330 = arith.index_cast %parallel_loop3A_329 : i32 to index
      %parallel_loop3A_331 = arith.index_cast %parallel_loop3A_328 : i32 to index
      %parallel_loop3A_332 = tpu.vector_load %arg4[%parallel_loop3A_330, %parallel_loop3A_331] {strides = array<i32>} : memref<4x16384xf32, #tpu.memory_space<vmem>>, vector<1x16xf32>,
      %parallel_loop3A_333 = vector.shape_cast %parallel_loop3A_332 : vector<1x16xf32> to vector<16xf32>
      %parallel_loop3A_334 = arith.maximumf %parallel_loop3A_299, %parallel_loop3A_333 : vector<16xf32>
      %parallel_loop3A_335 = arith.minimumf %parallel_loop3A_299, %parallel_loop3A_333 : vector<16xf32>
      %parallel_loop3A_336 = arith.maximumf %parallel_loop3A_300, %parallel_loop3A_335 : vector<16xf32>
      %parallel_loop3A_337 = arith.constant 128 : i32
      %parallel_loop3A_338 = arith.muli %parallel_loop3A_296, %parallel_loop3A_337 : i32
      %parallel_loop3A_339 = arith.constant 32 : i32
      %parallel_loop3A_340 = arith.addi %parallel_loop3A_338, %parallel_loop3A_339 : i32
      %parallel_loop3A_341 = arith.constant 1 : i32
      %parallel_loop3A_342 = arith.index_cast %parallel_loop3A_341 : i32 to index
      %parallel_loop3A_343 = arith.index_cast %parallel_loop3A_340 : i32 to index
      %parallel_loop3A_344 = tpu.vector_load %arg4[%parallel_loop3A_342, %parallel_loop3A_343] {strides = array<i32>} : memref<4x16384xf32, #tpu.memory_space<vmem>>, vector<1x16xf32>,
      %parallel_loop3A_345 = vector.shape_cast %parallel_loop3A_344 : vector<1x16xf32> to vector<16xf32>
      %parallel_loop3A_346 = arith.maximumf %parallel_loop3A_301, %parallel_loop3A_345 : vector<16xf32>
      %parallel_loop3A_347 = arith.minimumf %parallel_loop3A_301, %parallel_loop3A_345 : vector<16xf32>
      %parallel_loop3A_348 = arith.maximumf %parallel_loop3A_302, %parallel_loop3A_347 : vector<16xf32>
      %parallel_loop3A_349 = arith.constant 128 : i32
      %parallel_loop3A_350 = arith.muli %parallel_loop3A_296, %parallel_loop3A_349 : i32
      %parallel_loop3A_351 = arith.constant 48 : i32
      %parallel_loop3A_352 = arith.addi %parallel_loop3A_350, %parallel_loop3A_351 : i32
      %parallel_loop3A_353 = arith.constant 1 : i32
      %parallel_loop3A_354 = arith.index_cast %parallel_loop3A_353 : i32 to index
      %parallel_loop3A_355 = arith.index_cast %parallel_loop3A_352 : i32 to index
      %parallel_loop3A_356 = tpu.vector_load %arg4[%parallel_loop3A_354, %parallel_loop3A_355] {strides = array<i32>} : memref<4x16384xf32, #tpu.memory_space<vmem>>, vector<1x16xf32>,
      %parallel_loop3A_357 = vector.shape_cast %parallel_loop3A_356 : vector<1x16xf32> to vector<16xf32>
      %parallel_loop3A_358 = arith.maximumf %parallel_loop3A_303, %parallel_loop3A_357 : vector<16xf32>
      %parallel_loop3A_359 = arith.minimumf %parallel_loop3A_303, %parallel_loop3A_357 : vector<16xf32>
      %parallel_loop3A_360 = arith.maximumf %parallel_loop3A_304, %parallel_loop3A_359 : vector<16xf32>
      %parallel_loop3A_361 = arith.constant 128 : i32
      %parallel_loop3A_362 = arith.muli %parallel_loop3A_296, %parallel_loop3A_361 : i32
      %parallel_loop3A_363 = arith.constant 64 : i32
      %parallel_loop3A_364 = arith.addi %parallel_loop3A_362, %parallel_loop3A_363 : i32
      %parallel_loop3A_365 = arith.constant 1 : i32
      %parallel_loop3A_366 = arith.index_cast %parallel_loop3A_365 : i32 to index
      %parallel_loop3A_367 = arith.index_cast %parallel_loop3A_364 : i32 to index
      %parallel_loop3A_368 = tpu.vector_load %arg4[%parallel_loop3A_366, %parallel_loop3A_367] {strides = array<i32>} : memref<4x16384xf32, #tpu.memory_space<vmem>>, vector<1x16xf32>,
      %parallel_loop3A_369 = vector.shape_cast %parallel_loop3A_368 : vector<1x16xf32> to vector<16xf32>
      %parallel_loop3A_370 = arith.maximumf %parallel_loop3A_305, %parallel_loop3A_369 : vector<16xf32>
      %parallel_loop3A_371 = arith.minimumf %parallel_loop3A_305, %parallel_loop3A_369 : vector<16xf32>
      %parallel_loop3A_372 = arith.maximumf %parallel_loop3A_306, %parallel_loop3A_371 : vector<16xf32>
      %parallel_loop3A_373 = arith.constant 128 : i32
      %parallel_loop3A_374 = arith.muli %parallel_loop3A_296, %parallel_loop3A_373 : i32
      %parallel_loop3A_375 = arith.constant 80 : i32
      %parallel_loop3A_376 = arith.addi %parallel_loop3A_374, %parallel_loop3A_375 : i32
      %parallel_loop3A_377 = arith.constant 1 : i32
      %parallel_loop3A_378 = arith.index_cast %parallel_loop3A_377 : i32 to index
      %parallel_loop3A_379 = arith.index_cast %parallel_loop3A_376 : i32 to index
      %parallel_loop3A_380 = tpu.vector_load %arg4[%parallel_loop3A_378, %parallel_loop3A_379] {strides = array<i32>} : memref<4x16384xf32, #tpu.memory_space<vmem>>, vector<1x16xf32>,
      %parallel_loop3A_381 = vector.shape_cast %parallel_loop3A_380 : vector<1x16xf32> to vector<16xf32>
      %parallel_loop3A_382 = arith.maximumf %parallel_loop3A_307, %parallel_loop3A_381 : vector<16xf32>
      %parallel_loop3A_383 = arith.minimumf %parallel_loop3A_307, %parallel_loop3A_381 : vector<16xf32>
      %parallel_loop3A_384 = arith.maximumf %parallel_loop3A_308, %parallel_loop3A_383 : vector<16xf32>
      %parallel_loop3A_385 = arith.constant 128 : i32
      %parallel_loop3A_386 = arith.muli %parallel_loop3A_296, %parallel_loop3A_385 : i32
      %parallel_loop3A_387 = arith.constant 96 : i32
      %parallel_loop3A_388 = arith.addi %parallel_loop3A_386, %parallel_loop3A_387 : i32
      %parallel_loop3A_389 = arith.constant 1 : i32
      %parallel_loop3A_390 = arith.index_cast %parallel_loop3A_389 : i32 to index
      %parallel_loop3A_391 = arith.index_cast %parallel_loop3A_388 : i32 to index
      %parallel_loop3A_392 = tpu.vector_load %arg4[%parallel_loop3A_390, %parallel_loop3A_391] {strides = array<i32>} : memref<4x16384xf32, #tpu.memory_space<vmem>>, vector<1x16xf32>,
      %parallel_loop3A_393 = vector.shape_cast %parallel_loop3A_392 : vector<1x16xf32> to vector<16xf32>
      %parallel_loop3A_394 = arith.maximumf %parallel_loop3A_309, %parallel_loop3A_393 : vector<16xf32>
      %parallel_loop3A_395 = arith.minimumf %parallel_loop3A_309, %parallel_loop3A_393 : vector<16xf32>
      %parallel_loop3A_396 = arith.maximumf %parallel_loop3A_310, %parallel_loop3A_395 : vector<16xf32>
      %parallel_loop3A_397 = arith.constant 128 : i32
      %parallel_loop3A_398 = arith.muli %parallel_loop3A_296, %parallel_loop3A_397 : i32
      %parallel_loop3A_399 = arith.constant 112 : i32
      %parallel_loop3A_400 = arith.addi %parallel_loop3A_398, %parallel_loop3A_399 : i32
      %parallel_loop3A_401 = arith.constant 1 : i32
      %parallel_loop3A_402 = arith.index_cast %parallel_loop3A_401 : i32 to index
      %parallel_loop3A_403 = arith.index_cast %parallel_loop3A_400 : i32 to index
      %parallel_loop3A_404 = tpu.vector_load %arg4[%parallel_loop3A_402, %parallel_loop3A_403] {strides = array<i32>} : memref<4x16384xf32, #tpu.memory_space<vmem>>, vector<1x16xf32>,
      %parallel_loop3A_405 = vector.shape_cast %parallel_loop3A_404 : vector<1x16xf32> to vector<16xf32>
      %parallel_loop3A_406 = arith.maximumf %parallel_loop3A_311, %parallel_loop3A_405 : vector<16xf32>
      %parallel_loop3A_407 = arith.minimumf %parallel_loop3A_311, %parallel_loop3A_405 : vector<16xf32>
      %parallel_loop3A_408 = arith.maximumf %parallel_loop3A_312, %parallel_loop3A_407 : vector<16xf32>
      scf.yield %parallel_loop3A_322, %parallel_loop3A_324, %parallel_loop3A_334, %parallel_loop3A_336, %parallel_loop3A_346, %parallel_loop3A_348, %parallel_loop3A_358, %parallel_loop3A_360, %parallel_loop3A_370, %parallel_loop3A_372, %parallel_loop3A_382, %parallel_loop3A_384, %parallel_loop3A_394, %parallel_loop3A_396, %parallel_loop3A_406, %parallel_loop3A_408 : vector<16xf32>, vector<16xf32>, vector<16xf32>, vector<16xf32>, vector<16xf32>, vector<16xf32>, vector<16xf32>, vector<16xf32>, vector<16xf32>, vector<16xf32>, vector<16xf32>, vector<16xf32>, vector<16xf32>, vector<16xf32>, vector<16xf32>, vector<16xf32>
    } {sc.loop_unroll_factor = 4 : i64, sc.parallel_access}
    %max3A = arith.maximumf %parallel_loop3A_96#0, %parallel_loop3A_96#2 : vector<16xf32>
    %min3A = arith.minimumf %parallel_loop3A_96#0, %parallel_loop3A_96#2 : vector<16xf32>
    %max3A_97 = arith.maximumf %parallel_loop3A_96#1, %parallel_loop3A_96#3 : vector<16xf32>
    %max3A_98 = arith.maximumf %min3A, %max3A_97 : vector<16xf32>
    %max3A_99 = arith.maximumf %parallel_loop3A_96#4, %parallel_loop3A_96#6 : vector<16xf32>
    %min3A_100 = arith.minimumf %parallel_loop3A_96#4, %parallel_loop3A_96#6 : vector<16xf32>
    %max3A_101 = arith.maximumf %parallel_loop3A_96#5, %parallel_loop3A_96#7 : vector<16xf32>
    %max3A_102 = arith.maximumf %min3A_100, %max3A_101 : vector<16xf32>
    %max3A_103 = arith.maximumf %parallel_loop3A_96#8, %parallel_loop3A_96#10 : vector<16xf32>
    %min3A_104 = arith.minimumf %parallel_loop3A_96#8, %parallel_loop3A_96#10 : vector<16xf32>
    %max3A_105 = arith.maximumf %parallel_loop3A_96#9, %parallel_loop3A_96#11 : vector<16xf32>
    %max3A_106 = arith.maximumf %min3A_104, %max3A_105 : vector<16xf32>
    %max3A_107 = arith.maximumf %parallel_loop3A_96#12, %parallel_loop3A_96#14 : vector<16xf32>
    %min3A_108 = arith.minimumf %parallel_loop3A_96#12, %parallel_loop3A_96#14 : vector<16xf32>
    %max3A_109 = arith.maximumf %parallel_loop3A_96#13, %parallel_loop3A_96#15 : vector<16xf32>
    %max3A_110 = arith.maximumf %min3A_108, %max3A_109 : vector<16xf32>
    %max3A_111 = arith.maximumf %max3A, %max3A_99 : vector<16xf32>
    %min3A_112 = arith.minimumf %max3A, %max3A_99 : vector<16xf32>
    %max3A_113 = arith.maximumf %max3A_98, %max3A_102 : vector<16xf32>
    %max3A_114 = arith.maximumf %min3A_112, %max3A_113 : vector<16xf32>
    %max3A_115 = arith.maximumf %max3A_103, %max3A_107 : vector<16xf32>
    %min3A_116 = arith.minimumf %max3A_103, %max3A_107 : vector<16xf32>
    %max3A_117 = arith.maximumf %max3A_106, %max3A_110 : vector<16xf32>
    %max3A_118 = arith.maximumf %min3A_116, %max3A_117 : vector<16xf32>
    %max3A_119 = arith.maximumf %max3A_111, %max3A_115 : vector<16xf32>
    %min3A_120 = arith.minimumf %max3A_111, %max3A_115 : vector<16xf32>
    %max3A_121 = arith.maximumf %max3A_114, %max3A_118 : vector<16xf32>
    %max3A_122 = arith.maximumf %min3A_120, %max3A_121 : vector<16xf32>
    %xor3A = arith.constant 8 : i32
    %xor3A_123 = vector.broadcast %xor3A : i32 to vector<16xi32>
    %xor3A_124 = arith.xori %iota3A, %xor3A_123 : vector<16xi32>
    %broadcast_in_dim3A_125 = vector.shape_cast %xor3A_124 : vector<16xi32> to vector<16x1xi32>
    %gather3A = vector.shape_cast %broadcast_in_dim3A_125 : vector<16x1xi32> to vector<16xi32>
    %gather3A_126 = tpu.dynamic_gather %max3A_119[%gather3A] in [0] : vector<16xf32>, vector<16xi32> -> vector<16xf32>
    %broadcast_in_dim3A_127 = vector.shape_cast %xor3A_124 : vector<16xi32> to vector<16x1xi32>
    %gather3A_128 = vector.shape_cast %broadcast_in_dim3A_127 : vector<16x1xi32> to vector<16xi32>
    %gather3A_129 = tpu.dynamic_gather %max3A_122[%gather3A_128] in [0] : vector<16xf32>, vector<16xi32> -> vector<16xf32>
    %max3A_130 = arith.maximumf %max3A_119, %gather3A_126 : vector<16xf32>
    %min3A_131 = arith.minimumf %max3A_119, %gather3A_126 : vector<16xf32>
    %max3A_132 = arith.maximumf %max3A_122, %gather3A_129 : vector<16xf32>
    %max3A_133 = arith.maximumf %min3A_131, %max3A_132 : vector<16xf32>
    %xor3A_134 = arith.constant 4 : i32
    %xor3A_135 = vector.broadcast %xor3A_134 : i32 to vector<16xi32>
    %xor3A_136 = arith.xori %iota3A, %xor3A_135 : vector<16xi32>
    %broadcast_in_dim3A_137 = vector.shape_cast %xor3A_136 : vector<16xi32> to vector<16x1xi32>
    %gather3A_138 = vector.shape_cast %broadcast_in_dim3A_137 : vector<16x1xi32> to vector<16xi32>
    %gather3A_139 = tpu.dynamic_gather %max3A_130[%gather3A_138] in [0] : vector<16xf32>, vector<16xi32> -> vector<16xf32>
    %broadcast_in_dim3A_140 = vector.shape_cast %xor3A_136 : vector<16xi32> to vector<16x1xi32>
    %gather3A_141 = vector.shape_cast %broadcast_in_dim3A_140 : vector<16x1xi32> to vector<16xi32>
    %gather3A_142 = tpu.dynamic_gather %max3A_133[%gather3A_141] in [0] : vector<16xf32>, vector<16xi32> -> vector<16xf32>
    %max3A_143 = arith.maximumf %max3A_130, %gather3A_139 : vector<16xf32>
    %min3A_144 = arith.minimumf %max3A_130, %gather3A_139 : vector<16xf32>
    %max3A_145 = arith.maximumf %max3A_133, %gather3A_142 : vector<16xf32>
    %max3A_146 = arith.maximumf %min3A_144, %max3A_145 : vector<16xf32>
    %xor3A_147 = arith.constant 2 : i32
    %xor3A_148 = vector.broadcast %xor3A_147 : i32 to vector<16xi32>
    %xor3A_149 = arith.xori %iota3A, %xor3A_148 : vector<16xi32>
    %broadcast_in_dim3A_150 = vector.shape_cast %xor3A_149 : vector<16xi32> to vector<16x1xi32>
    %gather3A_151 = vector.shape_cast %broadcast_in_dim3A_150 : vector<16x1xi32> to vector<16xi32>
    %gather3A_152 = tpu.dynamic_gather %max3A_143[%gather3A_151] in [0] : vector<16xf32>, vector<16xi32> -> vector<16xf32>
    %broadcast_in_dim3A_153 = vector.shape_cast %xor3A_149 : vector<16xi32> to vector<16x1xi32>
    %gather3A_154 = vector.shape_cast %broadcast_in_dim3A_153 : vector<16x1xi32> to vector<16xi32>
    %gather3A_155 = tpu.dynamic_gather %max3A_146[%gather3A_154] in [0] : vector<16xf32>, vector<16xi32> -> vector<16xf32>
    %max3A_156 = arith.maximumf %max3A_143, %gather3A_152 : vector<16xf32>
    %min3A_157 = arith.minimumf %max3A_143, %gather3A_152 : vector<16xf32>
    %max3A_158 = arith.maximumf %max3A_146, %gather3A_155 : vector<16xf32>
    %max3A_159 = arith.maximumf %min3A_157, %max3A_158 : vector<16xf32>
    %xor3A_160 = arith.constant 1 : i32
    %xor3A_161 = vector.broadcast %xor3A_160 : i32 to vector<16xi32>
    %xor3A_162 = arith.xori %iota3A, %xor3A_161 : vector<16xi32>
    %broadcast_in_dim3A_163 = vector.shape_cast %xor3A_162 : vector<16xi32> to vector<16x1xi32>
    %gather3A_164 = vector.shape_cast %broadcast_in_dim3A_163 : vector<16x1xi32> to vector<16xi32>
    %gather3A_165 = tpu.dynamic_gather %max3A_156[%gather3A_164] in [0] : vector<16xf32>, vector<16xi32> -> vector<16xf32>
    %broadcast_in_dim3A_166 = vector.shape_cast %xor3A_162 : vector<16xi32> to vector<16x1xi32>
    %gather3A_167 = vector.shape_cast %broadcast_in_dim3A_166 : vector<16x1xi32> to vector<16xi32>
    %gather3A_168 = tpu.dynamic_gather %max3A_159[%gather3A_167] in [0] : vector<16xf32>, vector<16xi32> -> vector<16xf32>
    %max3A_169 = arith.maximumf %max3A_156, %gather3A_165 : vector<16xf32>
    %min3A_170 = arith.minimumf %max3A_156, %gather3A_165 : vector<16xf32>
    %max3A_171 = arith.maximumf %max3A_159, %gather3A_168 : vector<16xf32>
    %max3A_172 = arith.maximumf %min3A_170, %max3A_171 : vector<16xf32>
    %eq3A = arith.constant 0 : i32
    %eq3A_173 = vector.broadcast %eq3A : i32 to vector<16xi32>
    %eq3A_174 = arith.cmpi eq, %iota3A, %eq3A_173 : vector<16xi32>
    %select_n3A = arith.select %eq3A_174, %max3A_172, %broadcast_in_dim3A_64 : vector<16xi1>, vector<16xf32>
    %dma_wait3A_175 = arith.constant 2 : i32
    %dma_wait3A_176 = arith.constant 0 : i32
    %dma_wait3A_177 = tpu.memref_slice %arg4[%dma_wait3A_175, %dma_wait3A_176] : memref<4x16384xf32, #tpu.memory_space<vmem>> -> memref<1x16384xf32, #tpu.memory_space<vmem>>
    %dma_wait3A_178 = tpu.memref_squeeze %dma_wait3A_177 : memref<1x16384xf32, #tpu.memory_space<vmem>> -> memref<16384xf32, #tpu.memory_space<vmem>>
    %dma_wait3A_179 = arith.constant 0 : i32
    %dma_wait3A_180 = tpu.memref_slice %arg2[%add3A_33, %dma_wait3A_179] : memref<64x32768xf32, #tpu.memory_space<hbm>> -> memref<1x16384xf32, #tpu.memory_space<hbm>>
    %dma_wait3A_181 = tpu.memref_squeeze %dma_wait3A_180 : memref<1x16384xf32, #tpu.memory_space<hbm>> -> memref<16384xf32, #tpu.memory_space<hbm>>
    %dma_wait3A_182 = arith.constant 0 : i32
    %dma_wait3A_183 = tpu.memref_slice %arg4[%dma_wait3A_175, %dma_wait3A_182] : memref<4x16384xf32, #tpu.memory_space<vmem>> -> memref<1x16384xf32, #tpu.memory_space<vmem>>
    %dma_wait3A_184 = tpu.memref_squeeze %dma_wait3A_183 : memref<1x16384xf32, #tpu.memory_space<vmem>> -> memref<16384xf32, #tpu.memory_space<vmem>>
    %dma_wait3A_185 = arith.constant 0 : i32
    %dma_wait3A_186 = tpu.memref_slice %arg2[%add3A_33, %dma_wait3A_185] : memref<64x32768xf32, #tpu.memory_space<hbm>> -> memref<1x16384xf32, #tpu.memory_space<hbm>>
    %dma_wait3A_187 = tpu.memref_squeeze %dma_wait3A_186 : memref<1x16384xf32, #tpu.memory_space<hbm>> -> memref<16384xf32, #tpu.memory_space<hbm>>
    tpu.wait_dma2 semaphore(%arg8 : memref<!tpu.dma_semaphore, #tpu.memory_space<semaphore_mem>>) src(%dma_wait3A_187 : memref<16384xf32, #tpu.memory_space<hbm>>) dst(%dma_wait3A_184 : memref<16384xf32, #tpu.memory_space<vmem>>)
    %parallel_loop3A_188 = arith.constant 0 : i32
    %parallel_loop3A_189 = arith.constant 128 : i32
    %parallel_loop3A_190 = arith.constant 1 : i32
    %parallel_loop3A_191:16 = scf.for %parallel_loop3A_296 = %parallel_loop3A_188 to %parallel_loop3A_189 step %parallel_loop3A_190 iter_args(%parallel_loop3A_297 = %broadcast_in_dim3A_62, %parallel_loop3A_298 = %broadcast_in_dim3A_62, %parallel_loop3A_299 = %broadcast_in_dim3A_62, %parallel_loop3A_300 = %broadcast_in_dim3A_62, %parallel_loop3A_301 = %broadcast_in_dim3A_62, %parallel_loop3A_302 = %broadcast_in_dim3A_62, %parallel_loop3A_303 = %broadcast_in_dim3A_62, %parallel_loop3A_304 = %broadcast_in_dim3A_62, %parallel_loop3A_305 = %broadcast_in_dim3A_62, %parallel_loop3A_306 = %broadcast_in_dim3A_62, %parallel_loop3A_307 = %broadcast_in_dim3A_62, %parallel_loop3A_308 = %broadcast_in_dim3A_62, %parallel_loop3A_309 = %broadcast_in_dim3A_62, %parallel_loop3A_310 = %broadcast_in_dim3A_62, %parallel_loop3A_311 = %broadcast_in_dim3A_62, %parallel_loop3A_312 = %broadcast_in_dim3A_62) -> (vector<16xf32>, vector<16xf32>, vector<16xf32>, vector<16xf32>, vector<16xf32>, vector<16xf32>, vector<16xf32>, vector<16xf32>, vector<16xf32>, vector<16xf32>, vector<16xf32>, vector<16xf32>, vector<16xf32>, vector<16xf32>, vector<16xf32>, vector<16xf32>)  : i32 {
      %parallel_loop3A_313 = arith.constant 128 : i32
      %parallel_loop3A_314 = arith.muli %parallel_loop3A_296, %parallel_loop3A_313 : i32
      %parallel_loop3A_315 = arith.constant 0 : i32
      %parallel_loop3A_316 = arith.addi %parallel_loop3A_314, %parallel_loop3A_315 : i32
      %parallel_loop3A_317 = arith.constant 2 : i32
      %parallel_loop3A_318 = arith.index_cast %parallel_loop3A_317 : i32 to index
      %parallel_loop3A_319 = arith.index_cast %parallel_loop3A_316 : i32 to index
      %parallel_loop3A_320 = tpu.vector_load %arg4[%parallel_loop3A_318, %parallel_loop3A_319] {strides = array<i32>} : memref<4x16384xf32, #tpu.memory_space<vmem>>, vector<1x16xf32>,
      %parallel_loop3A_321 = vector.shape_cast %parallel_loop3A_320 : vector<1x16xf32> to vector<16xf32>
      %parallel_loop3A_322 = arith.maximumf %parallel_loop3A_297, %parallel_loop3A_321 : vector<16xf32>
      %parallel_loop3A_323 = arith.minimumf %parallel_loop3A_297, %parallel_loop3A_321 : vector<16xf32>
      %parallel_loop3A_324 = arith.maximumf %parallel_loop3A_298, %parallel_loop3A_323 : vector<16xf32>
      %parallel_loop3A_325 = arith.constant 128 : i32
      %parallel_loop3A_326 = arith.muli %parallel_loop3A_296, %parallel_loop3A_325 : i32
      %parallel_loop3A_327 = arith.constant 16 : i32
      %parallel_loop3A_328 = arith.addi %parallel_loop3A_326, %parallel_loop3A_327 : i32
      %parallel_loop3A_329 = arith.constant 2 : i32
      %parallel_loop3A_330 = arith.index_cast %parallel_loop3A_329 : i32 to index
      %parallel_loop3A_331 = arith.index_cast %parallel_loop3A_328 : i32 to index
      %parallel_loop3A_332 = tpu.vector_load %arg4[%parallel_loop3A_330, %parallel_loop3A_331] {strides = array<i32>} : memref<4x16384xf32, #tpu.memory_space<vmem>>, vector<1x16xf32>,
      %parallel_loop3A_333 = vector.shape_cast %parallel_loop3A_332 : vector<1x16xf32> to vector<16xf32>
      %parallel_loop3A_334 = arith.maximumf %parallel_loop3A_299, %parallel_loop3A_333 : vector<16xf32>
      %parallel_loop3A_335 = arith.minimumf %parallel_loop3A_299, %parallel_loop3A_333 : vector<16xf32>
      %parallel_loop3A_336 = arith.maximumf %parallel_loop3A_300, %parallel_loop3A_335 : vector<16xf32>
      %parallel_loop3A_337 = arith.constant 128 : i32
      %parallel_loop3A_338 = arith.muli %parallel_loop3A_296, %parallel_loop3A_337 : i32
      %parallel_loop3A_339 = arith.constant 32 : i32
      %parallel_loop3A_340 = arith.addi %parallel_loop3A_338, %parallel_loop3A_339 : i32
      %parallel_loop3A_341 = arith.constant 2 : i32
      %parallel_loop3A_342 = arith.index_cast %parallel_loop3A_341 : i32 to index
      %parallel_loop3A_343 = arith.index_cast %parallel_loop3A_340 : i32 to index
      %parallel_loop3A_344 = tpu.vector_load %arg4[%parallel_loop3A_342, %parallel_loop3A_343] {strides = array<i32>} : memref<4x16384xf32, #tpu.memory_space<vmem>>, vector<1x16xf32>,
      %parallel_loop3A_345 = vector.shape_cast %parallel_loop3A_344 : vector<1x16xf32> to vector<16xf32>
      %parallel_loop3A_346 = arith.maximumf %parallel_loop3A_301, %parallel_loop3A_345 : vector<16xf32>
      %parallel_loop3A_347 = arith.minimumf %parallel_loop3A_301, %parallel_loop3A_345 : vector<16xf32>
      %parallel_loop3A_348 = arith.maximumf %parallel_loop3A_302, %parallel_loop3A_347 : vector<16xf32>
      %parallel_loop3A_349 = arith.constant 128 : i32
      %parallel_loop3A_350 = arith.muli %parallel_loop3A_296, %parallel_loop3A_349 : i32
      %parallel_loop3A_351 = arith.constant 48 : i32
      %parallel_loop3A_352 = arith.addi %parallel_loop3A_350, %parallel_loop3A_351 : i32
      %parallel_loop3A_353 = arith.constant 2 : i32
      %parallel_loop3A_354 = arith.index_cast %parallel_loop3A_353 : i32 to index
      %parallel_loop3A_355 = arith.index_cast %parallel_loop3A_352 : i32 to index
      %parallel_loop3A_356 = tpu.vector_load %arg4[%parallel_loop3A_354, %parallel_loop3A_355] {strides = array<i32>} : memref<4x16384xf32, #tpu.memory_space<vmem>>, vector<1x16xf32>,
      %parallel_loop3A_357 = vector.shape_cast %parallel_loop3A_356 : vector<1x16xf32> to vector<16xf32>
      %parallel_loop3A_358 = arith.maximumf %parallel_loop3A_303, %parallel_loop3A_357 : vector<16xf32>
      %parallel_loop3A_359 = arith.minimumf %parallel_loop3A_303, %parallel_loop3A_357 : vector<16xf32>
      %parallel_loop3A_360 = arith.maximumf %parallel_loop3A_304, %parallel_loop3A_359 : vector<16xf32>
      %parallel_loop3A_361 = arith.constant 128 : i32
      %parallel_loop3A_362 = arith.muli %parallel_loop3A_296, %parallel_loop3A_361 : i32
      %parallel_loop3A_363 = arith.constant 64 : i32
      %parallel_loop3A_364 = arith.addi %parallel_loop3A_362, %parallel_loop3A_363 : i32
      %parallel_loop3A_365 = arith.constant 2 : i32
      %parallel_loop3A_366 = arith.index_cast %parallel_loop3A_365 : i32 to index
      %parallel_loop3A_367 = arith.index_cast %parallel_loop3A_364 : i32 to index
      %parallel_loop3A_368 = tpu.vector_load %arg4[%parallel_loop3A_366, %parallel_loop3A_367] {strides = array<i32>} : memref<4x16384xf32, #tpu.memory_space<vmem>>, vector<1x16xf32>,
      %parallel_loop3A_369 = vector.shape_cast %parallel_loop3A_368 : vector<1x16xf32> to vector<16xf32>
      %parallel_loop3A_370 = arith.maximumf %parallel_loop3A_305, %parallel_loop3A_369 : vector<16xf32>
      %parallel_loop3A_371 = arith.minimumf %parallel_loop3A_305, %parallel_loop3A_369 : vector<16xf32>
      %parallel_loop3A_372 = arith.maximumf %parallel_loop3A_306, %parallel_loop3A_371 : vector<16xf32>
      %parallel_loop3A_373 = arith.constant 128 : i32
      %parallel_loop3A_374 = arith.muli %parallel_loop3A_296, %parallel_loop3A_373 : i32
      %parallel_loop3A_375 = arith.constant 80 : i32
      %parallel_loop3A_376 = arith.addi %parallel_loop3A_374, %parallel_loop3A_375 : i32
      %parallel_loop3A_377 = arith.constant 2 : i32
      %parallel_loop3A_378 = arith.index_cast %parallel_loop3A_377 : i32 to index
      %parallel_loop3A_379 = arith.index_cast %parallel_loop3A_376 : i32 to index
      %parallel_loop3A_380 = tpu.vector_load %arg4[%parallel_loop3A_378, %parallel_loop3A_379] {strides = array<i32>} : memref<4x16384xf32, #tpu.memory_space<vmem>>, vector<1x16xf32>,
      %parallel_loop3A_381 = vector.shape_cast %parallel_loop3A_380 : vector<1x16xf32> to vector<16xf32>
      %parallel_loop3A_382 = arith.maximumf %parallel_loop3A_307, %parallel_loop3A_381 : vector<16xf32>
      %parallel_loop3A_383 = arith.minimumf %parallel_loop3A_307, %parallel_loop3A_381 : vector<16xf32>
      %parallel_loop3A_384 = arith.maximumf %parallel_loop3A_308, %parallel_loop3A_383 : vector<16xf32>
      %parallel_loop3A_385 = arith.constant 128 : i32
      %parallel_loop3A_386 = arith.muli %parallel_loop3A_296, %parallel_loop3A_385 : i32
      %parallel_loop3A_387 = arith.constant 96 : i32
      %parallel_loop3A_388 = arith.addi %parallel_loop3A_386, %parallel_loop3A_387 : i32
      %parallel_loop3A_389 = arith.constant 2 : i32
      %parallel_loop3A_390 = arith.index_cast %parallel_loop3A_389 : i32 to index
      %parallel_loop3A_391 = arith.index_cast %parallel_loop3A_388 : i32 to index
      %parallel_loop3A_392 = tpu.vector_load %arg4[%parallel_loop3A_390, %parallel_loop3A_391] {strides = array<i32>} : memref<4x16384xf32, #tpu.memory_space<vmem>>, vector<1x16xf32>,
      %parallel_loop3A_393 = vector.shape_cast %parallel_loop3A_392 : vector<1x16xf32> to vector<16xf32>
      %parallel_loop3A_394 = arith.maximumf %parallel_loop3A_309, %parallel_loop3A_393 : vector<16xf32>
      %parallel_loop3A_395 = arith.minimumf %parallel_loop3A_309, %parallel_loop3A_393 : vector<16xf32>
      %parallel_loop3A_396 = arith.maximumf %parallel_loop3A_310, %parallel_loop3A_395 : vector<16xf32>
      %parallel_loop3A_397 = arith.constant 128 : i32
      %parallel_loop3A_398 = arith.muli %parallel_loop3A_296, %parallel_loop3A_397 : i32
      %parallel_loop3A_399 = arith.constant 112 : i32
      %parallel_loop3A_400 = arith.addi %parallel_loop3A_398, %parallel_loop3A_399 : i32
      %parallel_loop3A_401 = arith.constant 2 : i32
      %parallel_loop3A_402 = arith.index_cast %parallel_loop3A_401 : i32 to index
      %parallel_loop3A_403 = arith.index_cast %parallel_loop3A_400 : i32 to index
      %parallel_loop3A_404 = tpu.vector_load %arg4[%parallel_loop3A_402, %parallel_loop3A_403] {strides = array<i32>} : memref<4x16384xf32, #tpu.memory_space<vmem>>, vector<1x16xf32>,
      %parallel_loop3A_405 = vector.shape_cast %parallel_loop3A_404 : vector<1x16xf32> to vector<16xf32>
      %parallel_loop3A_406 = arith.maximumf %parallel_loop3A_311, %parallel_loop3A_405 : vector<16xf32>
      %parallel_loop3A_407 = arith.minimumf %parallel_loop3A_311, %parallel_loop3A_405 : vector<16xf32>
      %parallel_loop3A_408 = arith.maximumf %parallel_loop3A_312, %parallel_loop3A_407 : vector<16xf32>
      scf.yield %parallel_loop3A_322, %parallel_loop3A_324, %parallel_loop3A_334, %parallel_loop3A_336, %parallel_loop3A_346, %parallel_loop3A_348, %parallel_loop3A_358, %parallel_loop3A_360, %parallel_loop3A_370, %parallel_loop3A_372, %parallel_loop3A_382, %parallel_loop3A_384, %parallel_loop3A_394, %parallel_loop3A_396, %parallel_loop3A_406, %parallel_loop3A_408 : vector<16xf32>, vector<16xf32>, vector<16xf32>, vector<16xf32>, vector<16xf32>, vector<16xf32>, vector<16xf32>, vector<16xf32>, vector<16xf32>, vector<16xf32>, vector<16xf32>, vector<16xf32>, vector<16xf32>, vector<16xf32>, vector<16xf32>, vector<16xf32>
    } {sc.loop_unroll_factor = 4 : i64, sc.parallel_access}
    %dma_wait3A_192 = arith.constant 3 : i32
    %dma_wait3A_193 = arith.constant 0 : i32
    %dma_wait3A_194 = tpu.memref_slice %arg4[%dma_wait3A_192, %dma_wait3A_193] : memref<4x16384xf32, #tpu.memory_space<vmem>> -> memref<1x16384xf32, #tpu.memory_space<vmem>>
    %dma_wait3A_195 = tpu.memref_squeeze %dma_wait3A_194 : memref<1x16384xf32, #tpu.memory_space<vmem>> -> memref<16384xf32, #tpu.memory_space<vmem>>
    %dma_wait3A_196 = arith.constant 16384 : i32
    %dma_wait3A_197 = tpu.memref_slice %arg2[%add3A_48, %dma_wait3A_196] : memref<64x32768xf32, #tpu.memory_space<hbm>> -> memref<1x16384xf32, #tpu.memory_space<hbm>>
    %dma_wait3A_198 = tpu.memref_squeeze %dma_wait3A_197 : memref<1x16384xf32, #tpu.memory_space<hbm>> -> memref<16384xf32, #tpu.memory_space<hbm>>
    %dma_wait3A_199 = arith.constant 0 : i32
    %dma_wait3A_200 = tpu.memref_slice %arg4[%dma_wait3A_192, %dma_wait3A_199] : memref<4x16384xf32, #tpu.memory_space<vmem>> -> memref<1x16384xf32, #tpu.memory_space<vmem>>
    %dma_wait3A_201 = tpu.memref_squeeze %dma_wait3A_200 : memref<1x16384xf32, #tpu.memory_space<vmem>> -> memref<16384xf32, #tpu.memory_space<vmem>>
    %dma_wait3A_202 = arith.constant 16384 : i32
    %dma_wait3A_203 = tpu.memref_slice %arg2[%add3A_48, %dma_wait3A_202] : memref<64x32768xf32, #tpu.memory_space<hbm>> -> memref<1x16384xf32, #tpu.memory_space<hbm>>
    %dma_wait3A_204 = tpu.memref_squeeze %dma_wait3A_203 : memref<1x16384xf32, #tpu.memory_space<hbm>> -> memref<16384xf32, #tpu.memory_space<hbm>>
    tpu.wait_dma2 semaphore(%arg9 : memref<!tpu.dma_semaphore, #tpu.memory_space<semaphore_mem>>) src(%dma_wait3A_204 : memref<16384xf32, #tpu.memory_space<hbm>>) dst(%dma_wait3A_201 : memref<16384xf32, #tpu.memory_space<vmem>>)
    %parallel_loop3A_205 = arith.constant 0 : i32
    %parallel_loop3A_206 = arith.constant 128 : i32
    %parallel_loop3A_207 = arith.constant 1 : i32
    %parallel_loop3A_208:16 = scf.for %parallel_loop3A_296 = %parallel_loop3A_205 to %parallel_loop3A_206 step %parallel_loop3A_207 iter_args(%parallel_loop3A_297 = %parallel_loop3A_191#0, %parallel_loop3A_298 = %parallel_loop3A_191#1, %parallel_loop3A_299 = %parallel_loop3A_191#2, %parallel_loop3A_300 = %parallel_loop3A_191#3, %parallel_loop3A_301 = %parallel_loop3A_191#4, %parallel_loop3A_302 = %parallel_loop3A_191#5, %parallel_loop3A_303 = %parallel_loop3A_191#6, %parallel_loop3A_304 = %parallel_loop3A_191#7, %parallel_loop3A_305 = %parallel_loop3A_191#8, %parallel_loop3A_306 = %parallel_loop3A_191#9, %parallel_loop3A_307 = %parallel_loop3A_191#10, %parallel_loop3A_308 = %parallel_loop3A_191#11, %parallel_loop3A_309 = %parallel_loop3A_191#12, %parallel_loop3A_310 = %parallel_loop3A_191#13, %parallel_loop3A_311 = %parallel_loop3A_191#14, %parallel_loop3A_312 = %parallel_loop3A_191#15) -> (vector<16xf32>, vector<16xf32>, vector<16xf32>, vector<16xf32>, vector<16xf32>, vector<16xf32>, vector<16xf32>, vector<16xf32>, vector<16xf32>, vector<16xf32>, vector<16xf32>, vector<16xf32>, vector<16xf32>, vector<16xf32>, vector<16xf32>, vector<16xf32>)  : i32 {
      %parallel_loop3A_313 = arith.constant 128 : i32
      %parallel_loop3A_314 = arith.muli %parallel_loop3A_296, %parallel_loop3A_313 : i32
      %parallel_loop3A_315 = arith.constant 0 : i32
      %parallel_loop3A_316 = arith.addi %parallel_loop3A_314, %parallel_loop3A_315 : i32
      %parallel_loop3A_317 = arith.constant 3 : i32
      %parallel_loop3A_318 = arith.index_cast %parallel_loop3A_317 : i32 to index
      %parallel_loop3A_319 = arith.index_cast %parallel_loop3A_316 : i32 to index
      %parallel_loop3A_320 = tpu.vector_load %arg4[%parallel_loop3A_318, %parallel_loop3A_319] {strides = array<i32>} : memref<4x16384xf32, #tpu.memory_space<vmem>>, vector<1x16xf32>,
      %parallel_loop3A_321 = vector.shape_cast %parallel_loop3A_320 : vector<1x16xf32> to vector<16xf32>
      %parallel_loop3A_322 = arith.maximumf %parallel_loop3A_297, %parallel_loop3A_321 : vector<16xf32>
      %parallel_loop3A_323 = arith.minimumf %parallel_loop3A_297, %parallel_loop3A_321 : vector<16xf32>
      %parallel_loop3A_324 = arith.maximumf %parallel_loop3A_298, %parallel_loop3A_323 : vector<16xf32>
      %parallel_loop3A_325 = arith.constant 128 : i32
      %parallel_loop3A_326 = arith.muli %parallel_loop3A_296, %parallel_loop3A_325 : i32
      %parallel_loop3A_327 = arith.constant 16 : i32
      %parallel_loop3A_328 = arith.addi %parallel_loop3A_326, %parallel_loop3A_327 : i32
      %parallel_loop3A_329 = arith.constant 3 : i32
      %parallel_loop3A_330 = arith.index_cast %parallel_loop3A_329 : i32 to index
      %parallel_loop3A_331 = arith.index_cast %parallel_loop3A_328 : i32 to index
      %parallel_loop3A_332 = tpu.vector_load %arg4[%parallel_loop3A_330, %parallel_loop3A_331] {strides = array<i32>} : memref<4x16384xf32, #tpu.memory_space<vmem>>, vector<1x16xf32>,
      %parallel_loop3A_333 = vector.shape_cast %parallel_loop3A_332 : vector<1x16xf32> to vector<16xf32>
      %parallel_loop3A_334 = arith.maximumf %parallel_loop3A_299, %parallel_loop3A_333 : vector<16xf32>
      %parallel_loop3A_335 = arith.minimumf %parallel_loop3A_299, %parallel_loop3A_333 : vector<16xf32>
      %parallel_loop3A_336 = arith.maximumf %parallel_loop3A_300, %parallel_loop3A_335 : vector<16xf32>
      %parallel_loop3A_337 = arith.constant 128 : i32
      %parallel_loop3A_338 = arith.muli %parallel_loop3A_296, %parallel_loop3A_337 : i32
      %parallel_loop3A_339 = arith.constant 32 : i32
      %parallel_loop3A_340 = arith.addi %parallel_loop3A_338, %parallel_loop3A_339 : i32
      %parallel_loop3A_341 = arith.constant 3 : i32
      %parallel_loop3A_342 = arith.index_cast %parallel_loop3A_341 : i32 to index
      %parallel_loop3A_343 = arith.index_cast %parallel_loop3A_340 : i32 to index
      %parallel_loop3A_344 = tpu.vector_load %arg4[%parallel_loop3A_342, %parallel_loop3A_343] {strides = array<i32>} : memref<4x16384xf32, #tpu.memory_space<vmem>>, vector<1x16xf32>,
      %parallel_loop3A_345 = vector.shape_cast %parallel_loop3A_344 : vector<1x16xf32> to vector<16xf32>
      %parallel_loop3A_346 = arith.maximumf %parallel_loop3A_301, %parallel_loop3A_345 : vector<16xf32>
      %parallel_loop3A_347 = arith.minimumf %parallel_loop3A_301, %parallel_loop3A_345 : vector<16xf32>
      %parallel_loop3A_348 = arith.maximumf %parallel_loop3A_302, %parallel_loop3A_347 : vector<16xf32>
      %parallel_loop3A_349 = arith.constant 128 : i32
      %parallel_loop3A_350 = arith.muli %parallel_loop3A_296, %parallel_loop3A_349 : i32
      %parallel_loop3A_351 = arith.constant 48 : i32
      %parallel_loop3A_352 = arith.addi %parallel_loop3A_350, %parallel_loop3A_351 : i32
      %parallel_loop3A_353 = arith.constant 3 : i32
      %parallel_loop3A_354 = arith.index_cast %parallel_loop3A_353 : i32 to index
      %parallel_loop3A_355 = arith.index_cast %parallel_loop3A_352 : i32 to index
      %parallel_loop3A_356 = tpu.vector_load %arg4[%parallel_loop3A_354, %parallel_loop3A_355] {strides = array<i32>} : memref<4x16384xf32, #tpu.memory_space<vmem>>, vector<1x16xf32>,
      %parallel_loop3A_357 = vector.shape_cast %parallel_loop3A_356 : vector<1x16xf32> to vector<16xf32>
      %parallel_loop3A_358 = arith.maximumf %parallel_loop3A_303, %parallel_loop3A_357 : vector<16xf32>
      %parallel_loop3A_359 = arith.minimumf %parallel_loop3A_303, %parallel_loop3A_357 : vector<16xf32>
      %parallel_loop3A_360 = arith.maximumf %parallel_loop3A_304, %parallel_loop3A_359 : vector<16xf32>
      %parallel_loop3A_361 = arith.constant 128 : i32
      %parallel_loop3A_362 = arith.muli %parallel_loop3A_296, %parallel_loop3A_361 : i32
      %parallel_loop3A_363 = arith.constant 64 : i32
      %parallel_loop3A_364 = arith.addi %parallel_loop3A_362, %parallel_loop3A_363 : i32
      %parallel_loop3A_365 = arith.constant 3 : i32
      %parallel_loop3A_366 = arith.index_cast %parallel_loop3A_365 : i32 to index
      %parallel_loop3A_367 = arith.index_cast %parallel_loop3A_364 : i32 to index
      %parallel_loop3A_368 = tpu.vector_load %arg4[%parallel_loop3A_366, %parallel_loop3A_367] {strides = array<i32>} : memref<4x16384xf32, #tpu.memory_space<vmem>>, vector<1x16xf32>,
      %parallel_loop3A_369 = vector.shape_cast %parallel_loop3A_368 : vector<1x16xf32> to vector<16xf32>
      %parallel_loop3A_370 = arith.maximumf %parallel_loop3A_305, %parallel_loop3A_369 : vector<16xf32>
      %parallel_loop3A_371 = arith.minimumf %parallel_loop3A_305, %parallel_loop3A_369 : vector<16xf32>
      %parallel_loop3A_372 = arith.maximumf %parallel_loop3A_306, %parallel_loop3A_371 : vector<16xf32>
      %parallel_loop3A_373 = arith.constant 128 : i32
      %parallel_loop3A_374 = arith.muli %parallel_loop3A_296, %parallel_loop3A_373 : i32
      %parallel_loop3A_375 = arith.constant 80 : i32
      %parallel_loop3A_376 = arith.addi %parallel_loop3A_374, %parallel_loop3A_375 : i32
      %parallel_loop3A_377 = arith.constant 3 : i32
      %parallel_loop3A_378 = arith.index_cast %parallel_loop3A_377 : i32 to index
      %parallel_loop3A_379 = arith.index_cast %parallel_loop3A_376 : i32 to index
      %parallel_loop3A_380 = tpu.vector_load %arg4[%parallel_loop3A_378, %parallel_loop3A_379] {strides = array<i32>} : memref<4x16384xf32, #tpu.memory_space<vmem>>, vector<1x16xf32>,
      %parallel_loop3A_381 = vector.shape_cast %parallel_loop3A_380 : vector<1x16xf32> to vector<16xf32>
      %parallel_loop3A_382 = arith.maximumf %parallel_loop3A_307, %parallel_loop3A_381 : vector<16xf32>
      %parallel_loop3A_383 = arith.minimumf %parallel_loop3A_307, %parallel_loop3A_381 : vector<16xf32>
      %parallel_loop3A_384 = arith.maximumf %parallel_loop3A_308, %parallel_loop3A_383 : vector<16xf32>
      %parallel_loop3A_385 = arith.constant 128 : i32
      %parallel_loop3A_386 = arith.muli %parallel_loop3A_296, %parallel_loop3A_385 : i32
      %parallel_loop3A_387 = arith.constant 96 : i32
      %parallel_loop3A_388 = arith.addi %parallel_loop3A_386, %parallel_loop3A_387 : i32
      %parallel_loop3A_389 = arith.constant 3 : i32
      %parallel_loop3A_390 = arith.index_cast %parallel_loop3A_389 : i32 to index
      %parallel_loop3A_391 = arith.index_cast %parallel_loop3A_388 : i32 to index
      %parallel_loop3A_392 = tpu.vector_load %arg4[%parallel_loop3A_390, %parallel_loop3A_391] {strides = array<i32>} : memref<4x16384xf32, #tpu.memory_space<vmem>>, vector<1x16xf32>,
      %parallel_loop3A_393 = vector.shape_cast %parallel_loop3A_392 : vector<1x16xf32> to vector<16xf32>
      %parallel_loop3A_394 = arith.maximumf %parallel_loop3A_309, %parallel_loop3A_393 : vector<16xf32>
      %parallel_loop3A_395 = arith.minimumf %parallel_loop3A_309, %parallel_loop3A_393 : vector<16xf32>
      %parallel_loop3A_396 = arith.maximumf %parallel_loop3A_310, %parallel_loop3A_395 : vector<16xf32>
      %parallel_loop3A_397 = arith.constant 128 : i32
      %parallel_loop3A_398 = arith.muli %parallel_loop3A_296, %parallel_loop3A_397 : i32
      %parallel_loop3A_399 = arith.constant 112 : i32
      %parallel_loop3A_400 = arith.addi %parallel_loop3A_398, %parallel_loop3A_399 : i32
      %parallel_loop3A_401 = arith.constant 3 : i32
      %parallel_loop3A_402 = arith.index_cast %parallel_loop3A_401 : i32 to index
      %parallel_loop3A_403 = arith.index_cast %parallel_loop3A_400 : i32 to index
      %parallel_loop3A_404 = tpu.vector_load %arg4[%parallel_loop3A_402, %parallel_loop3A_403] {strides = array<i32>} : memref<4x16384xf32, #tpu.memory_space<vmem>>, vector<1x16xf32>,
      %parallel_loop3A_405 = vector.shape_cast %parallel_loop3A_404 : vector<1x16xf32> to vector<16xf32>
      %parallel_loop3A_406 = arith.maximumf %parallel_loop3A_311, %parallel_loop3A_405 : vector<16xf32>
      %parallel_loop3A_407 = arith.minimumf %parallel_loop3A_311, %parallel_loop3A_405 : vector<16xf32>
      %parallel_loop3A_408 = arith.maximumf %parallel_loop3A_312, %parallel_loop3A_407 : vector<16xf32>
      scf.yield %parallel_loop3A_322, %parallel_loop3A_324, %parallel_loop3A_334, %parallel_loop3A_336, %parallel_loop3A_346, %parallel_loop3A_348, %parallel_loop3A_358, %parallel_loop3A_360, %parallel_loop3A_370, %parallel_loop3A_372, %parallel_loop3A_382, %parallel_loop3A_384, %parallel_loop3A_394, %parallel_loop3A_396, %parallel_loop3A_406, %parallel_loop3A_408 : vector<16xf32>, vector<16xf32>, vector<16xf32>, vector<16xf32>, vector<16xf32>, vector<16xf32>, vector<16xf32>, vector<16xf32>, vector<16xf32>, vector<16xf32>, vector<16xf32>, vector<16xf32>, vector<16xf32>, vector<16xf32>, vector<16xf32>, vector<16xf32>
    } {sc.loop_unroll_factor = 4 : i64, sc.parallel_access}
    %max3A_209 = arith.maximumf %parallel_loop3A_208#0, %parallel_loop3A_208#2 : vector<16xf32>
    %min3A_210 = arith.minimumf %parallel_loop3A_208#0, %parallel_loop3A_208#2 : vector<16xf32>
    %max3A_211 = arith.maximumf %parallel_loop3A_208#1, %parallel_loop3A_208#3 : vector<16xf32>
    %max3A_212 = arith.maximumf %min3A_210, %max3A_211 : vector<16xf32>
    %max3A_213 = arith.maximumf %parallel_loop3A_208#4, %parallel_loop3A_208#6 : vector<16xf32>
    %min3A_214 = arith.minimumf %parallel_loop3A_208#4, %parallel_loop3A_208#6 : vector<16xf32>
    %max3A_215 = arith.maximumf %parallel_loop3A_208#5, %parallel_loop3A_208#7 : vector<16xf32>
    %max3A_216 = arith.maximumf %min3A_214, %max3A_215 : vector<16xf32>
    %max3A_217 = arith.maximumf %parallel_loop3A_208#8, %parallel_loop3A_208#10 : vector<16xf32>
    %min3A_218 = arith.minimumf %parallel_loop3A_208#8, %parallel_loop3A_208#10 : vector<16xf32>
    %max3A_219 = arith.maximumf %parallel_loop3A_208#9, %parallel_loop3A_208#11 : vector<16xf32>
    %max3A_220 = arith.maximumf %min3A_218, %max3A_219 : vector<16xf32>
    %max3A_221 = arith.maximumf %parallel_loop3A_208#12, %parallel_loop3A_208#14 : vector<16xf32>
    %min3A_222 = arith.minimumf %parallel_loop3A_208#12, %parallel_loop3A_208#14 : vector<16xf32>
    %max3A_223 = arith.maximumf %parallel_loop3A_208#13, %parallel_loop3A_208#15 : vector<16xf32>
    %max3A_224 = arith.maximumf %min3A_222, %max3A_223 : vector<16xf32>
    %max3A_225 = arith.maximumf %max3A_209, %max3A_213 : vector<16xf32>
    %min3A_226 = arith.minimumf %max3A_209, %max3A_213 : vector<16xf32>
    %max3A_227 = arith.maximumf %max3A_212, %max3A_216 : vector<16xf32>
    %max3A_228 = arith.maximumf %min3A_226, %max3A_227 : vector<16xf32>
    %max3A_229 = arith.maximumf %max3A_217, %max3A_221 : vector<16xf32>
    %min3A_230 = arith.minimumf %max3A_217, %max3A_221 : vector<16xf32>
    %max3A_231 = arith.maximumf %max3A_220, %max3A_224 : vector<16xf32>
    %max3A_232 = arith.maximumf %min3A_230, %max3A_231 : vector<16xf32>
    %max3A_233 = arith.maximumf %max3A_225, %max3A_229 : vector<16xf32>
    %min3A_234 = arith.minimumf %max3A_225, %max3A_229 : vector<16xf32>
    %max3A_235 = arith.maximumf %max3A_228, %max3A_232 : vector<16xf32>
    %max3A_236 = arith.maximumf %min3A_234, %max3A_235 : vector<16xf32>
    %xor3A_237 = arith.constant 8 : i32
    %xor3A_238 = vector.broadcast %xor3A_237 : i32 to vector<16xi32>
    %xor3A_239 = arith.xori %iota3A, %xor3A_238 : vector<16xi32>
    %broadcast_in_dim3A_240 = vector.shape_cast %xor3A_239 : vector<16xi32> to vector<16x1xi32>
    %gather3A_241 = vector.shape_cast %broadcast_in_dim3A_240 : vector<16x1xi32> to vector<16xi32>
    %gather3A_242 = tpu.dynamic_gather %max3A_233[%gather3A_241] in [0] : vector<16xf32>, vector<16xi32> -> vector<16xf32>
    %broadcast_in_dim3A_243 = vector.shape_cast %xor3A_239 : vector<16xi32> to vector<16x1xi32>
    %gather3A_244 = vector.shape_cast %broadcast_in_dim3A_243 : vector<16x1xi32> to vector<16xi32>
    %gather3A_245 = tpu.dynamic_gather %max3A_236[%gather3A_244] in [0] : vector<16xf32>, vector<16xi32> -> vector<16xf32>
    %max3A_246 = arith.maximumf %max3A_233, %gather3A_242 : vector<16xf32>
    %min3A_247 = arith.minimumf %max3A_233, %gather3A_242 : vector<16xf32>
    %max3A_248 = arith.maximumf %max3A_236, %gather3A_245 : vector<16xf32>
    %max3A_249 = arith.maximumf %min3A_247, %max3A_248 : vector<16xf32>
    %xor3A_250 = arith.constant 4 : i32
    %xor3A_251 = vector.broadcast %xor3A_250 : i32 to vector<16xi32>
    %xor3A_252 = arith.xori %iota3A, %xor3A_251 : vector<16xi32>
    %broadcast_in_dim3A_253 = vector.shape_cast %xor3A_252 : vector<16xi32> to vector<16x1xi32>
    %gather3A_254 = vector.shape_cast %broadcast_in_dim3A_253 : vector<16x1xi32> to vector<16xi32>
    %gather3A_255 = tpu.dynamic_gather %max3A_246[%gather3A_254] in [0] : vector<16xf32>, vector<16xi32> -> vector<16xf32>
    %broadcast_in_dim3A_256 = vector.shape_cast %xor3A_252 : vector<16xi32> to vector<16x1xi32>
    %gather3A_257 = vector.shape_cast %broadcast_in_dim3A_256 : vector<16x1xi32> to vector<16xi32>
    %gather3A_258 = tpu.dynamic_gather %max3A_249[%gather3A_257] in [0] : vector<16xf32>, vector<16xi32> -> vector<16xf32>
    %max3A_259 = arith.maximumf %max3A_246, %gather3A_255 : vector<16xf32>
    %min3A_260 = arith.minimumf %max3A_246, %gather3A_255 : vector<16xf32>
    %max3A_261 = arith.maximumf %max3A_249, %gather3A_258 : vector<16xf32>
    %max3A_262 = arith.maximumf %min3A_260, %max3A_261 : vector<16xf32>
    %xor3A_263 = arith.constant 2 : i32
    %xor3A_264 = vector.broadcast %xor3A_263 : i32 to vector<16xi32>
    %xor3A_265 = arith.xori %iota3A, %xor3A_264 : vector<16xi32>
    %broadcast_in_dim3A_266 = vector.shape_cast %xor3A_265 : vector<16xi32> to vector<16x1xi32>
    %gather3A_267 = vector.shape_cast %broadcast_in_dim3A_266 : vector<16x1xi32> to vector<16xi32>
    %gather3A_268 = tpu.dynamic_gather %max3A_259[%gather3A_267] in [0] : vector<16xf32>, vector<16xi32> -> vector<16xf32>
    %broadcast_in_dim3A_269 = vector.shape_cast %xor3A_265 : vector<16xi32> to vector<16x1xi32>
    %gather3A_270 = vector.shape_cast %broadcast_in_dim3A_269 : vector<16x1xi32> to vector<16xi32>
    %gather3A_271 = tpu.dynamic_gather %max3A_262[%gather3A_270] in [0] : vector<16xf32>, vector<16xi32> -> vector<16xf32>
    %max3A_272 = arith.maximumf %max3A_259, %gather3A_268 : vector<16xf32>
    %min3A_273 = arith.minimumf %max3A_259, %gather3A_268 : vector<16xf32>
    %max3A_274 = arith.maximumf %max3A_262, %gather3A_271 : vector<16xf32>
    %max3A_275 = arith.maximumf %min3A_273, %max3A_274 : vector<16xf32>
    %xor3A_276 = arith.constant 1 : i32
    %xor3A_277 = vector.broadcast %xor3A_276 : i32 to vector<16xi32>
    %xor3A_278 = arith.xori %iota3A, %xor3A_277 : vector<16xi32>
    %broadcast_in_dim3A_279 = vector.shape_cast %xor3A_278 : vector<16xi32> to vector<16x1xi32>
    %gather3A_280 = vector.shape_cast %broadcast_in_dim3A_279 : vector<16x1xi32> to vector<16xi32>
    %gather3A_281 = tpu.dynamic_gather %max3A_272[%gather3A_280] in [0] : vector<16xf32>, vector<16xi32> -> vector<16xf32>
    %broadcast_in_dim3A_282 = vector.shape_cast %xor3A_278 : vector<16xi32> to vector<16x1xi32>
    %gather3A_283 = vector.shape_cast %broadcast_in_dim3A_282 : vector<16x1xi32> to vector<16xi32>
    %gather3A_284 = tpu.dynamic_gather %max3A_275[%gather3A_283] in [0] : vector<16xf32>, vector<16xi32> -> vector<16xf32>
    %max3A_285 = arith.maximumf %max3A_272, %gather3A_281 : vector<16xf32>
    %min3A_286 = arith.minimumf %max3A_272, %gather3A_281 : vector<16xf32>
    %max3A_287 = arith.maximumf %max3A_275, %gather3A_284 : vector<16xf32>
    %max3A_288 = arith.maximumf %min3A_286, %max3A_287 : vector<16xf32>
    %eq3A_289 = arith.constant 1 : i32
    %eq3A_290 = vector.broadcast %eq3A_289 : i32 to vector<16xi32>
    %eq3A_291 = arith.cmpi eq, %iota3A, %eq3A_290 : vector<16xi32>
    %select_n3A_292 = arith.select %eq3A_291, %max3A_288, %select_n3A : vector<16xi1>, vector<16xf32>
    %swap3A = arith.constant 0 : index
    %swap3A_293 = tpu.vector_load %arg5[%swap3A] {strides = array<i32>} : memref<16xf32, #tpu.memory_space<vmem>>, vector<16xf32>,
    %swap3A_294 = vector.shape_cast %swap3A_293 : vector<16xf32> to vector<16xf32>
    %swap3A_295 = vector.shape_cast %select_n3A_292 : vector<16xf32> to vector<16xf32>
    tpu.vector_store %arg5[%swap3A], %swap3A_295 {strides = array<i32>} : memref<16xf32, #tpu.memory_space<vmem>>, vector<16xf32>,
    "tpu.region"() ({
      %run_scoped3A = tpu.sem_alloc : memref<!tpu.dma_semaphore, #tpu.memory_space<semaphore_mem>>
      %dma_start3A_296 = arith.constant 0 : i32
      %dma_start3A_297 = tpu.memref_slice %arg3[%add3A, %dma_start3A_296] : memref<32x16xf32, #tpu.memory_space<hbm>> -> memref<1x16xf32, #tpu.memory_space<hbm>>
      %dma_start3A_298 = tpu.memref_squeeze %dma_start3A_297 : memref<1x16xf32, #tpu.memory_space<hbm>> -> memref<16xf32, #tpu.memory_space<hbm>>
      %dma_start3A_299 = arith.constant 0 : i32
      %dma_start3A_300 = tpu.memref_slice %arg3[%add3A, %dma_start3A_299] : memref<32x16xf32, #tpu.memory_space<hbm>> -> memref<1x16xf32, #tpu.memory_space<hbm>>
      %dma_start3A_301 = tpu.memref_squeeze %dma_start3A_300 : memref<1x16xf32, #tpu.memory_space<hbm>> -> memref<16xf32, #tpu.memory_space<hbm>>
      tpu.enqueue_dma source(%arg5 : memref<16xf32, #tpu.memory_space<vmem>>) target(%dma_start3A_301 : memref<16xf32, #tpu.memory_space<hbm>>) target_semaphore(%run_scoped3A : memref<!tpu.dma_semaphore, #tpu.memory_space<semaphore_mem>>)
      %dma_wait3A_302 = arith.constant 0 : i32
      %dma_wait3A_303 = tpu.memref_slice %arg3[%add3A, %dma_wait3A_302] : memref<32x16xf32, #tpu.memory_space<hbm>> -> memref<1x16xf32, #tpu.memory_space<hbm>>
      %dma_wait3A_304 = tpu.memref_squeeze %dma_wait3A_303 : memref<1x16xf32, #tpu.memory_space<hbm>> -> memref<16xf32, #tpu.memory_space<hbm>>
      %dma_wait3A_305 = arith.constant 0 : i32
      %dma_wait3A_306 = tpu.memref_slice %arg3[%add3A, %dma_wait3A_305] : memref<32x16xf32, #tpu.memory_space<hbm>> -> memref<1x16xf32, #tpu.memory_space<hbm>>
      %dma_wait3A_307 = tpu.memref_squeeze %dma_wait3A_306 : memref<1x16xf32, #tpu.memory_space<hbm>> -> memref<16xf32, #tpu.memory_space<hbm>>
      tpu.wait_dma2 semaphore(%run_scoped3A : memref<!tpu.dma_semaphore, #tpu.memory_space<semaphore_mem>>) src(%arg5 : memref<16xf32, #tpu.memory_space<vmem>>) dst(%dma_wait3A_307 : memref<16xf32, #tpu.memory_space<hbm>>)
      tpu.yield
    }) : () -> ()
    return
  }
}

module attributes {stable_mosaic.version = 14 : i64} {
  func.func @body(%arg0: memref<32x16xf32, #tpu.memory_space<vmem>>, %arg1: memref<1xf32, #tpu.memory_space<smem>>, %arg2: memref<1xf32, #tpu.memory_space<smem>>, %arg3: memref<1xf32, #tpu.memory_space<smem>>) attributes {dimension_semantics = [], scalar_prefetch = 0 : i64, scratch_operands = 0 : i64, tpu.core_type = #tpu.core_type<tc>} {
    %get3A = arith.constant 0 : index
    %get3A_0 = arith.constant 0 : index
    %get3A_1 = vector.load %arg0[%get3A, %get3A_0] : memref<32x16xf32, #tpu.memory_space<vmem>>, vector<32x16xf32>
    %get3A_2 = arith.constant 0 : index
    %get3A_3 = memref.load %arg1[%get3A_2] : memref<1xf32, #tpu.memory_space<smem>>
    %get3A_4 = arith.constant 0 : index
    %get3A_5 = memref.load %arg2[%get3A_4] : memref<1xf32, #tpu.memory_space<smem>>
    %get3A_6 = arith.constant 0 : index
    %get3A_7 = memref.load %arg2[%get3A_6] : memref<1xf32, #tpu.memory_space<smem>>
    %mul3A = arith.mulf %get3A_5, %get3A_7 : f32
    %mul3A_8 = arith.constant 6.28318548 : f32
    %mul3A_9 = arith.mulf %mul3A_8, %mul3A : f32
    %sqrt3A = math.sqrt %mul3A_9 : f32
    %div3A = arith.constant 1.000000e+00 : f32
    %div3A_10 = arith.divf %div3A, %sqrt3A : f32
    %sub3A = vector.broadcast %get3A_3 : f32 to vector<32x16xf32>
    %sub3A_11 = arith.subf %get3A_1, %sub3A : vector<32x16xf32>
    %integer_pow3A = arith.mulf %sub3A_11, %sub3A_11 : vector<32x16xf32>
    %neg3A = arith.constant 0.000000e+00 : f32
    %neg3A_12 = vector.broadcast %neg3A : f32 to vector<32x16xf32>
    %neg3A_13 = arith.subf %neg3A_12, %integer_pow3A : vector<32x16xf32>
    %mul3A_14 = arith.constant 2.000000e+00 : f32
    %mul3A_15 = arith.mulf %mul3A_14, %mul3A : f32
    %div3A_16 = vector.broadcast %mul3A_15 : f32 to vector<32x16xf32>
    %div3A_17 = arith.divf %neg3A_13, %div3A_16 : vector<32x16xf32>
    %exp3A = math.exp %div3A_17 : vector<32x16xf32>
    %mul3A_18 = vector.broadcast %div3A_10 : f32 to vector<32x16xf32>
    %mul3A_19 = arith.mulf %mul3A_18, %exp3A : vector<32x16xf32>
    %sub3A_20 = vector.broadcast %div3A_10 : f32 to vector<32x16xf32>
    %sub3A_21 = arith.subf %sub3A_20, %mul3A_19 : vector<32x16xf32>
    %iota3A = tpu.iota {dimensions = array<i32: 1>} : vector<32x16xi32>
    %lt3A = arith.constant 2 : i32
    %lt3A_22 = vector.broadcast %lt3A : i32 to vector<32x16xi32>
    %lt3A_23 = arith.cmpi slt, %iota3A, %lt3A_22 : vector<32x16xi32>
    %jit3A = arith.constant 0.000000e+00 : f32
    %broadcast_in_dim3A = vector.broadcast %jit3A : f32 to vector<32x16xf32>
    %select_n3A = arith.select %lt3A_23, %sub3A_21, %broadcast_in_dim3A : vector<32x16xi1>, vector<32x16xf32>
    %reduce_sum3A = vector.shape_cast %select_n3A : vector<32x16xf32> to vector<1x32x16xf32>
    %reduce_sum3A_24 = arith.constant dense<0.000000e+00> : vector<1xf32>
    %reduce_sum3A_25 = vector.multi_reduction <add>, %reduce_sum3A, %reduce_sum3A_24 [1, 2] : vector<1x32x16xf32> to vector<1xf32>
    %reduce_sum3A_26 = vector.shape_cast %reduce_sum3A_25 : vector<1xf32> to vector<1x1x1xf32>
    %reduce_sum3A_27 = vector.extract %reduce_sum3A_26[0, 0, 0] : f32 from vector<1x1x1xf32>
    %mul3A_28 = arith.constant 1.562500e-01 : f32
    %mul3A_29 = arith.mulf %reduce_sum3A_27, %mul3A_28 : f32
    %swap3A = arith.constant 0 : index
    %swap3A_30 = memref.load %arg3[%swap3A] : memref<1xf32, #tpu.memory_space<smem>>
    memref.store %mul3A_29, %arg3[%swap3A] : memref<1xf32, #tpu.memory_space<smem>>
    return
  }
}

</mosaic_0001>

<sc_bundles>
// kernel: kernel.4.cloned.1.call-start
scs
__scs_entry_jumppad:
0x0: {  	(pc) =	sbr.rel $0x88, $3  }
0x1: {  	(tag) =	ssettag $0x0;
	lr =	simm.s32 $0x1  }
0x2: {  	[smem:$0x3F9E] =	sst lr;
	_ =	strace $0xD0000000  }
0x3: {  	_ = 	snop  }
0x4: {  	_ = 	snop  }
0x5: {  	_ = 	snop  }
0x6: {  	_ = 	snop  }
0x7: {  	_ = 	snop  }
__scs_overlays_trampoline_lowered:
0x8: {  	[smem:$0x3FAD] =	sst s0  }
0x9: {  	[smem:$0x3FAE] =	sst s1  }
0xa: {  	[smem:$0x3FAF] =	sst s2  }
0xb: {  	[smem:$0x3FB0] =	sst s3  }
0xc: {  	[smem:$0x3FB1] =	sst s4  }
0xd: {  	[smem:$0x3FB2] =	sst s5  }
0xe: {  	[smem:$0x3FB3] =	sst s6  }
0xf: {  	[smem:$0x3FB4] =	sst s7  }
0x10: {  	[smem:$0x3FB5] =	sst s8  }
0x11: {  	[smem:$0x3FB6] =	sst s9;
	s0 =	simm.s32 @!p0 $0x0  }
0x12: {  	s1 =	sld [smem:$0x3F9C];
	s0 =	simm.s32 @p0 $0x1  }
0x13: {  	[smem:$0x3FB7] =	sst s0;
	s0 =	simm.s32 @!p1 $0x0  }
0x14: {  	s2 =	sld [smem:$0x3F9B];
	s0 =	simm.s32 @p1 $0x1  }
0x15: {  	[smem:$0x3FB8] =	sst s0;
	s0 =	simm.s32 @!p2 $0x0  }
0x16: {  	s3 =	sld [smem:$0x3FDB];
	s0 =	simm.s32 @p2 $0x1  }
0x17: {  	s4 =	simm.s32 $0x1BF5;
	[smem:$0x3FBA] =	sst s0  }
0x18: {  	s0 =	sld [smem:$0x3F9D];
	_ =	swait.ge [sflag:s4], $0x0  }
0x19: {  	s7 =	sld [smem:$0x3F9E]  }
0x1a: {  	s8 =	sadd.s32 $0xFFFFE003, lr  }
0x1b: {  	s9 =	sadd.s32 $0xFFFFFEF7, lr;
	s5 =	simm.s32 $0xFFFFFFFF;
	p2 =	slt.u32 s8, $0xFFFFF086  }
0x1c: {  	p1 =	slt.u32 s9, $0xF7A;
	s5 =	simm.s32 @!p2 $0x0  }
0x1d: {  	s5 =	simm.s32 @p1 $0x1;
	p0 =	seq.s32 s7, s2  }
0x1e: {  	s7 =	smul.u32 @!p0 $0xF7A, s2;
	p2 =	seq.s32 @!p0 s5, $0x0  }
0x1f: {  	s9 =	smul.u32 $0xF7A, s1;
	s8 =	simm.s32 @!p0 $0x1BF5;
	p2 =	por !p2, p0  }
0x20: {  	[sflag:s8] =	ssyncset.s32 @!p0 $0xFFFFF086;
	s6 =	sadd.s32 @!p0 s3, s7;
	s7 =	simm.s32 @!p0 $0x108  }
0x21: {  	s3 =	sadd.s32 s3, s9;
	s6 =	sadd.s32 @!p0 $0x88, s6;
	s7 =	simm.s32 @p2 $0x1082  }
0x22: {  	[simem:s7], [sflag:s8] =	dma.local @!p0 [hbm:s6], $0xF7A  }
0x23: {  	s9 =	sor.u32 $0xD0000000, s2;
	s6 =	simm.s32 $0x108;
	_ =	swait.ge @!p0 [sflag:s8], $0x0  }
0x24: {  	s3 =	sadd.s32 $0x88, s3;
	s6 =	simm.s32 @!p1 $0x1082;
	[sflag:s4] =	ssyncset.s32 $0xFFFFF086  }
0x25: {  	[simem:s6], [sflag:s4] =	dma.local [hbm:s3], $0xF7A  }
0x26: {  	[smem:$0x3F9E] =	sst s1;
	(tag) =	ssettag s2;
	_ =	strace s9  }
0x27: {  	s1 =	sld [smem:$0x3FAE]  }
0x28: {  	s2 =	sld [smem:$0x3FAF]  }
0x29: {  	s4 =	sld [smem:$0x3FB1]  }
0x2a: {  	p0 =	seq.s32 s5, $0x0;
	s5 =	sld [smem:$0x3FB2]  }
0x2b: {  	s6 =	sld [smem:$0x3FB3]  }
0x2c: {  	s7 =	sld [smem:$0x3FB4]  }
0x2d: {  	s3 =	simm.s32 $0x108;
	s8 =	sld [smem:$0x3FB5]  }
0x2e: {  	s3 =	simm.s32 @!p0 $0x1082;
	s9 =	sld [smem:$0x3FB6]  }
0x2f: {  	lr =	sadd.s32 s0, s3;
	s0 =	sld [smem:$0x3FAD]  }
0x30: {  	s3 =	sld [smem:$0x3FB0]  }
0x31: {  	[smem:$0x3FB9] =	sst s10  }
0x32: {  	s10 =	sld [smem:$0x3FB7];
	_ =	sdelay $0x3  }
0x33: {  	p0 =	seq.s32 s10, $0x1;
	s10 =	sld [smem:$0x3FB9];
	_ =	sdelay $0x3  }
0x34: {  	[smem:$0x3FB9] =	sst s10  }
0x35: {  	s10 =	sld [smem:$0x3FB8];
	_ =	sdelay $0x3  }
0x36: {  	p1 =	seq.s32 s10, $0x1;
	s10 =	sld [smem:$0x3FB9];
	_ =	sdelay $0x3  }
0x37: {  	[smem:$0x3FB9] =	sst s10  }
0x38: {  	s10 =	sld [smem:$0x3FBA]  }
0x39: {  	_ = 	snop;
	(pc) =	sbr.ind lr, $3  }
0x3a: {  	_ = 	snop  }
0x3b: {  	_ = 	snop  }
0x3c: {  	p2 =	seq.s32 s10, $0x1;
	s10 =	sld [smem:$0x3FB9]  }
0x3d: {  	_ =	shalt  }
0x3e: {  	_ =	shalt  }
0x3f: {  	_ =	shalt  }
0x40: {  	_ =	shalt  }
0x41: {  	_ =	shalt  }
0x42: {  	_ =	shalt  }
0x43: {  	_ =	shalt  }
0x44: {  	_ =	shalt  }
0x45: {  	_ =	shalt  }
0x46: {  	_ =	shalt  }
0x47: {  	_ =	shalt  }
0x48: {  	_ =	shalt  }
0x49: {  	_ =	shalt  }
0x4a: {  	_ =	shalt  }
0x4b: {  	_ =	shalt  }
0x4c: {  	_ =	shalt  }
0x4d: {  	_ =	shalt  }
0x4e: {  	_ =	shalt  }
0x4f: {  	_ =	shalt  }
0x50: {  	_ =	shalt  }
0x51: {  	_ =	shalt  }
0x52: {  	_ =	shalt  }
0x53: {  	_ =	shalt  }
0x54: {  	_ =	shalt  }
0x55: {  	_ =	shalt  }
0x56: {  	_ =	shalt  }
0x57: {  	_ =	shalt  }
0x58: {  	_ =	shalt  }
0x59: {  	_ =	shalt  }
0x5a: {  	_ =	shalt  }
0x5b: {  	_ =	shalt  }
0x5c: {  	_ =	shalt  }
0x5d: {  	_ =	shalt  }
0x5e: {  	_ =	shalt  }
0x5f: {  	_ =	shalt  }
0x60: {  	_ =	shalt  }
0x61: {  	_ =	shalt  }
0x62: {  	_ =	shalt  }
0x63: {  	_ =	shalt  }
0x64: {  	_ =	shalt  }
0x65: {  	_ =	shalt  }
0x66: {  	_ =	shalt  }
0x67: {  	_ =	shalt  }
0x68: {  	_ =	shalt  }
0x69: {  	_ =	shalt  }
0x6a: {  	_ =	shalt  }
0x6b: {  	_ =	shalt  }
0x6c: {  	_ =	shalt  }
0x6d: {  	_ =	shalt  }
0x6e: {  	_ =	shalt  }
0x6f: {  	_ =	shalt  }
0x70: {  	_ =	shalt  }
0x71: {  	_ =	shalt  }
0x72: {  	_ =	shalt  }
0x73: {  	_ =	shalt  }
0x74: {  	_ =	shalt  }
0x75: {  	_ =	shalt  }
0x76: {  	_ =	shalt  }
0x77: {  	_ =	shalt  }
0x78: {  	_ =	shalt  }
0x79: {  	_ =	shalt  }
0x7a: {  	_ =	shalt  }
0x7b: {  	_ =	shalt  }
0x7c: {  	_ =	shalt  }
0x7d: {  	_ =	shalt  }
0x7e: {  	_ =	shalt  }
0x7f: {  	_ =	shalt  }
0x80: {  	_ =	shalt  }
0x81: {  	_ =	shalt  }
0x82: {  	_ =	shalt  }
0x83: {  	_ =	shalt  }
0x84: {  	_ =	shalt  }
0x85: {  	_ =	shalt  }
0x86: {  	_ =	shalt  }
0x87: {  	_ =	shalt  }
.Lfunc_end0:
.L_simem_size_0:
called_computation_lowered:
.L_overlay_start_0:
0x88: {  	s2 =	sld [smem:$0x3FD9]  }
0x89: {  	s3 =	sld [smem:$0x3FFE];
	_ =	sdelay $0x1  }
0x8a: {  	s1 =	srdreg.scid  }
0x8b: {  	s0 =	sand.u32 $0x1, s1  }
0x8c: {  	s17 =	sshll.u32 s0, $0xA;
	s2 =	sadd.s32 s3, s2  }
0x8d: {  	s2 =	sadd.s32 s2, s17  }
0x8e: {  	[smem:$0x3FC5] =	sst s2  }
0x8f: {  	_ = 	snop  }
0x90: {  	s2 =	sld [smem:$0x3FC9];
	(tm) =	ssettm $0x1  }
0x91: {  	s18 =	sld [smem:$0x3FFB];
	_ =	sdelay $0x3  }
0x92: {  	_ =	strace s18  }
0x93: {  	s3 =	sld [smem:$0x3FFC];
	_ =	sdelay $0x3  }
0x94: {  	_ =	strace s3  }
0x95: {  	s3 =	sld [smem:$0x3FFD];
	_ =	sdelay $0x3  }
0x96: {  	_ =	strace s3  }
0x97: {  	_ =	strace $0x8FFFFFFF  }
0x98: {  	s19 =	sld [smem:$0x3FDB];
	_ =	sdelay $0x1  }
0x99: {  	s4 =	simm.s32 $_scs_section_size  }
0x9a: {  	s5 =	simm.s32 $_size__tile_overlayer_lowered;
	s6 =	simm.s32 $_tile_overlayer_lowered  }
0x9b: {  	s22 =	simm.s32 $0x1BFF;
	s21 =	sshll.u32 s6, $0x1;
	s3 =	sadd.s32 s4, s19  }
0x9c: {  	s7 =	simm.s32 $0x0;
	s20 =	sshll.u32 s5, $0x1;
	s5 =	sadd.s32 s21, s3  }
0x9d: {  	[timem:s7], [sflag:s22] =	dma.local [hbm:s5], s20  }
0x9e: {  	_ =	swait.ge [sflag:s22], s20  }
0x9f: {  	s4 =	ssub.s32 $0x0, s20;
	[sflag:s22] =	ssyncset.done $0x0  }
0xa0: {  	[sflag:s22] =	ssyncadd.s32 s4;
	_ =	sdelay $0x1  }
0xa1: {  	s23 =	simm.s32 $0x1B8B  }
0xa2: {  	_ =	swait.ge [sflag:s23], $0x1  }
0xa3: {  	[sflag:s23] =	ssyncset.done $0x0  }
0xa4: {  	s25 =	simm.s32 $0x1B8E;
	s24 =	sld [smem:$0x3FFE];
	[sflag:s23] =	ssyncadd.s32 $0xFFFFFFFF  }
0xa5: {  	s26 =	simm.s32 $execute0_lowered;
	[smem:$0x3FD2] =	sst s25  }
0xa6: {  	s5 =	sshll.u32 s26, $0x1;
	_ =	strace $0x80000046;
	[dreg:$0x1] =	wrdreg $0xFFFFFFFF  }
0xa7: {  	s28 =	simm.s32 $_size_execute0_lowered;
	s3 =	sadd.s32 s3, s5;
	[dreg:$0x0] =	wrdreg $0x0  }
0xa8: {  	s5 =	sshll.u32 s28, $0x1;
	[dreg:$0x2] =	wrdreg s3  }
0xa9: {  	[dreg:$0x3] =	wrdreg s5  }
0xaa: {  	[dreg:$0x4] =	wrdreg $0xC0  }
0xab: {  	_ =	task [dreg:s7], $0x5FFFF  }
0xac: {  	[dreg:$0x1] =	wrdreg $0xFFFFFFFF  }
0xad: {  	[dreg:$0x0] =	wrdreg $0x60  }
0xae: {  	[dreg:$0x2] =	wrdreg s2  }
0xaf: {  	[dreg:$0x3] =	wrdreg s24  }
0xb0: {  	[dreg:$0x4] =	wrdreg $0x9  }
0xb1: {  	_ =	task.clear_ibuf [dreg:s7], $0x5FFFF;
	_ =	strace $0x90000046  }
0xb2: {  	s29 =	simm.s32 $0x9;
	_ =	strace $0x80000048  }
0xb3: {  	_ =	swait.ge [sflag:s29], $0x1  }
0xb4: {  	[sflag:s29] =	ssyncadd.s32 $0xFFFFFFFF  }
0xb5: {  	_ =	strace $0x90000048  }
0xb6: {  	_ =	sfence  }
0xb7: {  	s30 =	sld [smem:$0x0];
	_ =	sdelay $0x2  }
0xb8: {  	s31 =	sshll.u32 s1, $0xD;
	s1 =	sshrl.u32 s1, $0x2  }
0xb9: {  	s3 =	sand.u32 $0x4000, s31;
	s1 =	sadd.s32 s1, s30  }
0xba: {  	s0 =	sor.u32 s3, s0;
	s1 =	sshll.u32 s1, $0x11  }
0xbb: {  	s0 =	sor.u32 s1, s0  }
0xbc: {  	s0 =	sadd.s32 $0x8F2B, s0  }
0xbd: {  	[sflag:s0] =	ssyncadd.remote.s32 $0x1  }
0xbe: {  	_ =	sfence.sel $0xFFFF  }
0xbf: {  	[dreg:$0x0] =	wrdreg $0xFFFFFFFF;
	(pc) =	sbr.abs _section_cstart, $3  }
0xc0: {  	[dreg:$0x1] =	wrdreg $0xFFFFFFFF  }
0xc1: {  	_ =	task.clear_ibuf [dreg:s7], $0x2FFFF;
	_ =	strace $0x9FFFFFFF  }
0xc2: {  	(tm) =	ssettm $0x7FFFFFFF  }
0xc3: {  	_ =	shalt  }
tec
execute0_lowered:
.L_overlay_start_1:
0x0: {  	(tag) =	ssettag $0x1  }
0x1: {  	s5 =	rddreg [dreg:$0x0]  }
0x2: {  	v0 =	vimm.s32 $0xFEDCBA98;
	s3 =	rddreg [dreg:$0x1];
	v1 =	vimm.s32 $0x76543210  }
0x3: {  	s0 =	simm.s32 $0x0;
	s4 =	srdreg.scid;
	s1 =	stileid.u32;
	v2 =	vimm.s32 $0xBA98FEDC;
	v3 =	vimm.s32 $0x32107654;
	v4 =	vimm.s32 $0xDCFE98BA  }
0x4: {  	s2 =	rddreg [dreg:$0x2];
	v5 =	vimm.s32 $0x54761032;
	v6 =	vimm.s32 $0xEFCDAB89;
	v7 =	vimm.s32 $0x67452301;
	s10 =	simm.s32 $0x2;
	s11 =	simm.s32 $0x3  }
0x5: {  	s12 =	simm.s32 $0x4;
	s13 =	simm.s32 $0x10000;
	s14 =	simm.s32 $0x5;
	v0 =	vunpack.c.l.s4.s8 v0;
	v1 =	vunpack.c.l.s4.s8 v1;
	v2 =	vunpack.c.l.s4.s8 v2  }
0x6: {  	s15 =	simm.s32 $0x0;
	[smem:$0x7FF] =	sst s0;
	s4 =	sand.u32 $0x1, s4;
	v3 =	vunpack.c.l.s4.s8 v3;
	v4 =	vunpack.c.l.s4.s8 v4;
	v5 =	vunpack.c.l.s4.s8 v5  }
0x7: {  	s6 =	sshll.u32 s1, $0x1;
	s7 =	sshll.u32 s1, $0xE;
	v6 =	vunpack.c.l.s4.s8 v6;
	v7 =	vunpack.c.l.s4.s8 v7;
	s31 =	sadd.s32 $0x4000, s5;
	v0 =	vunpack.c.0.s8.s32 v0  }
0x8: {  	_ =	strace $0x80000047;
	s6 =	sor.u32 s4, s6;
	s4 =	ssub.s32 $0x2, s4;
	v2 =	vunpack.c.0.s8.s32 v2;
	v3 =	vunpack.c.0.s8.s32 v3;
	v4 =	vunpack.c.0.s8.s32 v4  }
0x9: {  	s8 =	sshll.u32 s6, $0x5;
	s6 =	sshll.u32 s6, $0x4;
	s9 =	sshrl.u32 s4, $0x1;
	v5 =	vunpack.c.0.s8.s32 v5;
	v6 =	vunpack.c.0.s8.s32 v6;
	v7 =	vunpack.c.0.s8.s32 v7  }
0xa: {  	v1 =	vunpack.c.0.s8.s32 v1;
	s7 =	sor.u32 s7, s8;
	s29 =	sadd.s32 s6, s3;
	s9 =	ssub.s32 s4, s9;
	v2 =	vcombine.low v3, v2  }
0xb: {  	s30 =	sand.u32 $0x38060, s7;
	v3 =	vcombine.low v5, v4;
	v4 =	vcombine.low v7, v6;
	s8 =	smax.u32 s9, $0x1;
	s9 =	simm.s32 $0x1;
	v0 =	vand.u32 $0xF, v0  }
0xc: {  	vm0 =	vcmask $0x308;
	vm1 =	vmmov $0x1;
	s3 =	sadd.s32 s5, s30;
	s7 =	sor.u32 $0x10, s30;
	s4 =	sadd.s32 s30, s31;
	v0 =	vcombine.low v0, v1  }
0xd: {  	s5 =	sadd.s32 s5, s7;
	s6 =	sadd.s32 s7, s31;
	s7 =	sadd.s32 $0x600, s29;
	v1 =	vand.u32 $0xF, v2;
	v2 =	vand.u32 $0xF, v3;
	v3 =	vand.u32 $0xF, v4  }
.LBB2_1:
0xe: {  	s16 =	simm.s32 $0x80  }
0xf: {  	s19 =	sadd.s32 $0x0, s3;
	s17 =	simm.s32 $0x200;
	s18 =	simm.s32 $0x0  }
.LBB2_2:
0x10: {  	[tilespmem:s18], [sflag:$0x1] =	stream.linear.gather [hbm4b:s19+s0], $0x80, $0x38;
	[tilespmem:$0x10080] =	vst v63  }
0x11: {  	s19 =	smov.u32 s16;
	s18 =	smov.u32 s17;
	p0 =	sne.s32 s16, $0x3F80  }
.Ltmp0:
0x12: {  	s16 =	sadd.s32 $0x80, s16;
	(pc) =	sbr.rel @p0 .LBB2_2-.Ltmp0, $2  }
0x13: {  	_ =	sdelay $0x2  }
0x14: {  	s17 =	sadd.s32 $0x200, s17;
	s19 =	sadd.s32 s19, s3  }
0x15: {  	[tilespmem:s18], [sflag:$0x1] =	stream.linear.gather [hbm4b:s19+s0], $0x80, $0x38;
	[tilespmem:$0x10080] =	vst v63  }
0x16: {  	s16 =	simm.s32 $0x80  }
0x17: {  	s17 =	simm.s32 $0x80;
	s19 =	sadd.s32 $0x0, s4;
	s18 =	simm.s32 $0x280  }
.LBB2_4:
0x18: {  	[tilespmem:s16], [sflag:$0x2] =	stream.linear.gather [hbm4b:s19+s0], $0x80, $0x38;
	[tilespmem:$0x10080] =	vst v63  }
0x19: {  	s19 =	smov.u32 s17;
	s16 =	smov.u32 s18;
	p0 =	sne.s32 s17, $0x3F80  }
.Ltmp1:
0x1a: {  	s17 =	sadd.s32 $0x80, s17;
	(pc) =	sbr.rel @p0 .LBB2_4-.Ltmp1, $2  }
0x1b: {  	_ =	sdelay $0x2  }
0x1c: {  	s18 =	sadd.s32 $0x200, s18;
	s19 =	sadd.s32 s19, s4  }
0x1d: {  	[tilespmem:s16], [sflag:$0x2] =	stream.linear.gather [hbm4b:s19+s0], $0x80, $0x38;
	[tilespmem:$0x10080] =	vst v63  }
0x1e: {  	s16 =	simm.s32 $0x100  }
0x1f: {  	s17 =	simm.s32 $0x80;
	s19 =	sadd.s32 $0x0, s5;
	s18 =	simm.s32 $0x300  }
.LBB2_6:
0x20: {  	[tilespmem:s16], [sflag:$0x3] =	stream.linear.gather [hbm4b:s19+s0], $0x80, $0x38;
	[tilespmem:$0x10080] =	vst v63  }
0x21: {  	s19 =	smov.u32 s17;
	s16 =	smov.u32 s18;
	p0 =	sne.s32 s17, $0x3F80  }
.Ltmp2:
0x22: {  	s17 =	sadd.s32 $0x80, s17;
	(pc) =	sbr.rel @p0 .LBB2_6-.Ltmp2, $2  }
0x23: {  	_ =	sdelay $0x2  }
0x24: {  	s18 =	sadd.s32 $0x200, s18;
	s19 =	sadd.s32 s19, s5  }
0x25: {  	[tilespmem:s16], [sflag:$0x3] =	stream.linear.gather [hbm4b:s19+s0], $0x80, $0x38;
	[tilespmem:$0x10080] =	vst v63  }
0x26: {  	s16 =	simm.s32 $0x180  }
0x27: {  	s17 =	simm.s32 $0x80;
	s19 =	sadd.s32 $0x0, s6;
	s18 =	simm.s32 $0x380  }
.LBB2_8:
0x28: {  	[tilespmem:s16], [sflag:$0x4] =	stream.linear.gather [hbm4b:s19+s0], $0x80, $0x38;
	[tilespmem:$0x10080] =	vst v63  }
0x29: {  	s19 =	smov.u32 s17;
	s16 =	smov.u32 s18;
	p0 =	sne.s32 s17, $0x3F80  }
.Ltmp3:
0x2a: {  	s17 =	sadd.s32 $0x80, s17;
	(pc) =	sbr.rel @p0 .LBB2_8-.Ltmp3, $2  }
0x2b: {  	_ =	sdelay $0x2  }
0x2c: {  	s18 =	sadd.s32 $0x200, s18;
	s19 =	sadd.s32 s19, s6  }
0x2d: {  	[tilespmem:s16], [sflag:$0x4] =	stream.linear.gather [hbm4b:s19+s0], $0x80, $0x38;
	[tilespmem:$0x10080] =	vst v63  }
0x2e: {  	_ =	swait.ge [sflag:s9], $0x4000  }
0x2f: {  	[sflag:s9] =	ssyncset.done $0x0  }
0x30: {  	s18 =	simm.s32 $0x0;
	[sflag:s9] =	ssyncadd.s32 $0xFFFFC000  }
0x31: {  	v8 =	vld [tilespmem:s18+$0x70]  }
0x32: {  	v5 =	vld [tilespmem:s18+$0x0]  }
0x33: {  	v9 =	vimm.f32 $-Inf;
	v10 =	vld [tilespmem:s18+$0x10]  }
0x34: {  	v20 =	vimm.f32 $-Inf;
	v18 =	vimm.f32 $-Inf;
	v19 =	vimm.f32 $-Inf  }
0x35: {  	v17 =	vimm.f32 $-Inf;
	v14 =	vimm.f32 $-Inf;
	v15 =	vimm.f32 $-Inf;
	v21 =	vld [tilespmem:s18+$0x20]  }
0x36: {  	v12 =	vimm.f32 $-Inf;
	v16 =	vimm.f32 $-Inf;
	v13 =	vimm.f32 $-Inf;
	v22 =	vld [tilespmem:s18+$0x30]  }
0x37: {  	v11 =	vimm.f32 $-Inf;
	v23 =	vld [tilespmem:s18+$0x40];
	v6 =	vmin.f32 v9, v8;
	v4 =	vmax.f32 v9, v5  }
0x38: {  	v24 =	vld [tilespmem:s18+$0x50];
	v5 =	vmin.f32 v9, v5;
	v26 =	vmin.f32 v9, v10;
	v7 =	vmax.f32 v9, v6  }
0x39: {  	s16 =	simm.s32 $0x200;
	s17 =	simm.s32 $0x1000;
	v25 =	vld [tilespmem:s18+$0x60];
	v6 =	vmax.f32 v9, v5;
	v5 =	vmax.f32 v9, v10;
	v10 =	vimm.f32 $-Inf  }
.LBB2_10:
0x3a: {  	p0 =	sne.s32 s17, $0x3F800;
	v27 =	vld [tilespmem:s16+$0x70];
	v9 =	vmax.f32 v9, v26;
	v26 =	vmin.f32 v20, v21;
	v20 =	vmax.f32 v20, v21  }
0x3b: {  	v28 =	vld [tilespmem:s16+$0x0];
	v18 =	vmax.f32 v18, v26;
	v21 =	vmin.f32 v19, v22;
	v19 =	vmax.f32 v19, v22  }
0x3c: {  	v29 =	vld [tilespmem:s16+$0x10];
	v17 =	vmax.f32 v17, v21;
	v22 =	vmin.f32 v14, v23;
	v14 =	vmax.f32 v14, v23  }
.Ltmp4:
0x3d: {  	v21 =	vld [tilespmem:s16+$0x20];
	v15 =	vmax.f32 v15, v22;
	v26 =	vmin.f32 v12, v24;
	v12 =	vmax.f32 v12, v24;
	(pc) =	sbr.rel @p0 .LBB2_10-.Ltmp4, $4  }
0x3e: {  	v16 =	vmax.f32 v16, v8;
	v22 =	vld [tilespmem:s16+$0x30];
	v24 =	vmin.f32 v10, v25;
	v10 =	vmax.f32 v10, v25  }
0x3f: {  	v13 =	vmax.f32 v13, v26;
	v23 =	vld [tilespmem:s16+$0x40];
	v25 =	vmin.f32 v16, v27;
	v11 =	vmax.f32 v11, v24;
	v8 =	vmovc v27  }
0x40: {  	v26 =	vmin.f32 v4, v28;
	v4 =	vmax.f32 v4, v28;
	v24 =	vld [tilespmem:s16+$0x50];
	v7 =	vmax.f32 v7, v25  }
0x41: {  	v6 =	vmax.f32 v6, v26;
	v26 =	vmin.f32 v5, v29;
	v5 =	vmax.f32 v5, v29;
	v25 =	vld [tilespmem:s16+$0x60];
	s16 =	sshra.s32 s17, $0x2;
	s17 =	sadd.s32 $0x800, s17  }
0x42: {  	v27 =	vld [tilespmem:s16+$0x70]  }
0x43: {  	v28 =	vld [tilespmem:s16+$0x0]  }
0x44: {  	v29 =	vld [tilespmem:s16+$0x10];
	v9 =	vmax.f32 v9, v26;
	v26 =	vmax.f32 v20, v21;
	v20 =	vmin.f32 v20, v21  }
0x45: {  	v21 =	vld [tilespmem:s16+$0x20];
	v18 =	vmax.f32 v18, v20;
	v20 =	vmax.f32 v19, v22;
	v19 =	vmin.f32 v19, v22  }
0x46: {  	v22 =	vld [tilespmem:s16+$0x30];
	v17 =	vmax.f32 v17, v19;
	v19 =	vmax.f32 v14, v23;
	v14 =	vmin.f32 v14, v23  }
0x47: {  	v16 =	vmax.f32 v16, v8;
	v23 =	vld [tilespmem:s16+$0x40];
	v15 =	vmax.f32 v15, v14;
	v30 =	vmax.f32 v12, v24  }
0x48: {  	v12 =	vmin.f32 v12, v24;
	v24 =	vld [tilespmem:s16+$0x50];
	v31 =	vmax.f32 v10, v25;
	v10 =	vmin.f32 v10, v25  }
0x49: {  	v25 =	vld [tilespmem:s16+$0x60];
	v32 =	vmax.f32 v13, v12;
	_ =	swait.ge [sflag:s10], $0x4000;
	v8 =	vmin.f32 v16, v27;
	v11 =	vmax.f32 v11, v10  }
0x4a: {  	v33 =	vmax.f32 v4, v28;
	v4 =	vmin.f32 v4, v28;
	[sflag:s10] =	ssyncset.done $0x0;
	v35 =	vmax.f32 v5, v29  }
0x4b: {  	s18 =	simm.s32 $0x0;
	v63 =	vmax.f32 v7, v8;
	v34 =	vmax.f32 v6, v4;
	v4 =	vmin.f32 v5, v29;
	[sflag:s10] =	ssyncadd.s32 $0xFFFFC000  }
0x4c: {  	v6 =	vmax.f32 v26, v21;
	v5 =	vmin.f32 v26, v21;
	v12 =	vmax.f32 v9, v4;
	v4 =	vld [tilespmem:s18+$0xF0]  }
0x4d: {  	v7 =	vmax.f32 v20, v22;
	v13 =	vmax.f32 v18, v5;
	v5 =	vmin.f32 v20, v22;
	v18 =	vld [tilespmem:s18+$0x80]  }
0x4e: {  	v8 =	vmax.f32 v19, v23;
	v26 =	vld [tilespmem:s18+$0x90];
	v14 =	vmax.f32 v17, v5;
	v5 =	vmin.f32 v19, v23  }
0x4f: {  	v22 =	vld [tilespmem:s18+$0xA0];
	v9 =	vmax.f32 v30, v24;
	v10 =	vmin.f32 v30, v24;
	v17 =	vmax.f32 v16, v27  }
0x50: {  	v23 =	vld [tilespmem:s18+$0xB0];
	v15 =	vmax.f32 v15, v5;
	v5 =	vmax.f32 v31, v25;
	v19 =	vmin.f32 v31, v25  }
0x51: {  	v21 =	vld [tilespmem:s18+$0xC0];
	v10 =	vmax.f32 v32, v10;
	v11 =	vmax.f32 v11, v19;
	v19 =	vmin.f32 v17, v4  }
0x52: {  	v24 =	vld [tilespmem:s18+$0xD0];
	v16 =	vmax.f32 v33, v18;
	v20 =	vmin.f32 v33, v18;
	v18 =	vmax.f32 v63, v19  }
0x53: {  	s17 =	simm.s32 $0x1000;
	s16 =	simm.s32 $0x200;
	v25 =	vld [tilespmem:s18+$0xE0];
	v20 =	vmax.f32 v34, v20;
	v19 =	vmax.f32 v35, v26;
	v26 =	vmin.f32 v35, v26  }
.LBB2_12:
0x54: {  	p0 =	sne.s32 s17, $0x3F800;
	v27 =	vld [tilespmem:s16+$0xF0];
	v12 =	vmax.f32 v12, v26;
	v26 =	vmin.f32 v6, v22;
	v6 =	vmax.f32 v6, v22  }
0x55: {  	v28 =	vld [tilespmem:s16+$0x80];
	v13 =	vmax.f32 v13, v26;
	v22 =	vmin.f32 v7, v23;
	v7 =	vmax.f32 v7, v23  }
0x56: {  	v29 =	vld [tilespmem:s16+$0x90];
	v14 =	vmax.f32 v14, v22;
	v23 =	vmin.f32 v8, v21;
	v8 =	vmax.f32 v8, v21  }
.Ltmp5:
0x57: {  	v22 =	vld [tilespmem:s16+$0xA0];
	v15 =	vmax.f32 v15, v23;
	v26 =	vmin.f32 v9, v24;
	v9 =	vmax.f32 v9, v24;
	(pc) =	sbr.rel @p0 .LBB2_12-.Ltmp5, $4  }
0x58: {  	v17 =	vmax.f32 v17, v4;
	v23 =	vld [tilespmem:s16+$0xB0];
	v24 =	vmin.f32 v5, v25;
	v5 =	vmax.f32 v5, v25  }
0x59: {  	v10 =	vmax.f32 v10, v26;
	v21 =	vld [tilespmem:s16+$0xC0];
	v25 =	vmin.f32 v17, v27;
	v11 =	vmax.f32 v11, v24;
	v4 =	vmovc v27  }
0x5a: {  	v26 =	vmin.f32 v16, v28;
	v16 =	vmax.f32 v16, v28;
	v24 =	vld [tilespmem:s16+$0xD0];
	v18 =	vmax.f32 v18, v25  }
0x5b: {  	v20 =	vmax.f32 v20, v26;
	v26 =	vmin.f32 v19, v29;
	v19 =	vmax.f32 v19, v29;
	v25 =	vld [tilespmem:s16+$0xE0];
	s16 =	sshra.s32 s17, $0x2;
	s17 =	sadd.s32 $0x800, s17  }
0x5c: {  	v27 =	vld [tilespmem:s16+$0xF0];
	v12 =	vmax.f32 v12, v26;
	v26 =	vmin.f32 v6, v22  }
0x5d: {  	v6 =	vmax.f32 v6, v22;
	v22 =	vld [tilespmem:s16+$0x80];
	v13 =	vmax.f32 v13, v26;
	v26 =	vmin.f32 v7, v23  }
0x5e: {  	v7 =	vmax.f32 v7, v23;
	v23 =	vld [tilespmem:s16+$0x90];
	v14 =	vmax.f32 v14, v26;
	v26 =	vmin.f32 v8, v21  }
0x5f: {  	v4 =	vmax.f32 v17, v4;
	v8 =	vmax.f32 v8, v21;
	v21 =	vld [tilespmem:s16+$0xA0];
	v15 =	vmax.f32 v15, v26  }
0x60: {  	v26 =	vmax.f32 v9, v24;
	v9 =	vmin.f32 v9, v24;
	v28 =	vmax.f32 v5, v25  }
0x61: {  	v24 =	vld [tilespmem:s16+$0xB0];
	v5 =	vmin.f32 v5, v25;
	v9 =	vmax.f32 v10, v9;
	v25 =	vmin.f32 v4, v27  }
0x62: {  	v17 =	vld [tilespmem:s16+$0xC0];
	v5 =	vmax.f32 v11, v5;
	v10 =	vmax.f32 v16, v22;
	v11 =	vmin.f32 v16, v22  }
0x63: {  	v16 =	vld [tilespmem:s16+$0xD0];
	v4 =	vmax.f32 v4, v27;
	v11 =	vmax.f32 v20, v11;
	v20 =	vmin.f32 v19, v23  }
0x64: {  	v22 =	vld [tilespmem:s16+$0xE0];
	v18 =	vmax.f32 v18, v25;
	v12 =	vmax.f32 v12, v20;
	v20 =	vmin.f32 v6, v21  }
0x65: {  	v19 =	vmax.f32 v19, v23;
	v6 =	vmax.f32 v6, v21;
	v13 =	vmax.f32 v13, v20  }
0x66: {  	v20 =	vmin.f32 v7, v24;
	v7 =	vmax.f32 v7, v24;
	v11 =	vmax.f32 v11, v12  }
0x67: {  	v14 =	vmax.f32 v14, v20;
	v20 =	vmin.f32 v8, v17;
	v8 =	vmax.f32 v8, v17  }
0x68: {  	v15 =	vmax.f32 v15, v20;
	v17 =	vmax.f32 v26, v16;
	v16 =	vmin.f32 v26, v16  }
0x69: {  	v20 =	vmax.f32 v28, v22;
	v21 =	vmin.f32 v28, v22;
	v9 =	vmax.f32 v9, v16  }
0x6a: {  	v5 =	vmax.f32 v5, v21;
	v16 =	vmax.f32 v10, v19;
	v10 =	vmin.f32 v10, v19  }
0x6b: {  	v12 =	vmin.f32 v8, v17;
	v10 =	vmax.f32 v10, v11;
	v11 =	vmax.f32 v6, v7  }
0x6c: {  	v6 =	vmin.f32 v6, v7;
	v7 =	vmax.f32 v13, v14;
	v9 =	vmax.f32 v15, v9  }
0x6d: {  	v5 =	vmax.f32 v5, v18;
	v6 =	vmax.f32 v6, v7;
	v7 =	vmax.f32 v8, v17  }
0x6e: {  	v8 =	vmax.f32 v12, v9;
	v9 =	vmax.f32 v20, v4;
	v4 =	vmin.f32 v20, v4  }
0x6f: {  	v4 =	vmax.f32 v4, v5;
	v5 =	vmax.f32 v16, v11;
	v11 =	vmin.f32 v16, v11  }
0x70: {  	v6 =	vmax.f32 v10, v6;
	v10 =	vmin.f32 v7, v9;
	v4 =	vmax.f32 v8, v4  }
0x71: {  	v7 =	vmax.f32 v7, v9;
	v6 =	vmax.f32 v11, v6;
	v4 =	vmax.f32 v10, v4  }
0x72: {  	v8 =	vmin.f32 v5, v7;
	v4 =	vmax.f32 v6, v4  }
0x73: {  	v5 =	vmax.f32 v5, v7;
	v4 =	vmax.f32 v8, v4  }
0x74: {  	v6 =	vperm.xlane v5, v0;
	v7 =	vperm.xlane v4, v0;
	_ =	sdelay $0x1  }
0x75: {  	_ =	swait.ge [sflag:s11], $0x4000;
	v8 =	vmin.f32 v5, v6;
	v4 =	vmax.f32 v4, v7  }
0x76: {  	[sflag:s11] =	ssyncset.done $0x0;
	v5 =	vmax.f32 v5, v6;
	v4 =	vmax.f32 v8, v4  }
0x77: {  	s18 =	simm.s32 $0x0;
	v23 =	vimm.f32 $-Inf;
	[sflag:s11] =	ssyncadd.s32 $0xFFFFC000;
	v6 =	vperm.xlane v5, v1;
	v7 =	vperm.xlane v4, v1  }
0x78: {  	v24 =	vimm.f32 $-Inf;
	v22 =	vimm.f32 $-Inf;
	v21 =	vimm.f32 $-Inf;
	v14 =	vld [tilespmem:s18+$0x110]  }
0x79: {  	v19 =	vimm.f32 $-Inf;
	v10 =	vld [tilespmem:s18+$0x100];
	v8 =	vmin.f32 v5, v6;
	v4 =	vmax.f32 v4, v7  }
0x7a: {  	v13 =	vimm.f32 $-Inf;
	v5 =	vmax.f32 v5, v6;
	v4 =	vmax.f32 v8, v4;
	v8 =	vld [tilespmem:s18+$0x170]  }
0x7b: {  	v18 =	vimm.f32 $-Inf;
	v15 =	vimm.f32 $-Inf;
	v6 =	vperm.xlane v5, v2  }
0x7c: {  	v20 =	vimm.f32 $-Inf;
	v17 =	vimm.f32 $-Inf;
	v7 =	vperm.xlane v4, v2  }
0x7d: {  	v25 =	vld [tilespmem:s18+$0x120];
	v16 =	vimm.f32 $-Inf;
	v9 =	vmin.f32 v5, v6;
	v5 =	vmax.f32 v5, v6  }
0x7e: {  	v26 =	vld [tilespmem:s18+$0x130];
	v30 =	vmin.f32 v13, v14;
	v4 =	vmax.f32 v4, v7;
	v7 =	vperm.xlane v5, v3  }
0x7f: {  	v27 =	vld [tilespmem:s18+$0x140];
	v4 =	vmax.f32 v9, v4;
	v9 =	vmax.f32 v13, v10;
	v11 =	vmin.f32 v13, v8  }
0x80: {  	v28 =	vld [tilespmem:s18+$0x150];
	v10 =	vmin.f32 v13, v10;
	v6 =	vperm.xlane v4, v3;
	v12 =	vmax.f32 v13, v11  }
0x81: {  	s17 =	simm.s32 $0x1000;
	s16 =	simm.s32 $0x200;
	v29 =	vld [tilespmem:s18+$0x160];
	v11 =	vmax.f32 v13, v10;
	v10 =	vmax.f32 v13, v14;
	v14 =	vimm.f32 $-Inf  }
.LBB2_14:
0x82: {  	p0 =	sne.s32 s17, $0x3F800;
	v31 =	vld [tilespmem:s16+$0x170];
	v13 =	vmax.f32 v13, v30;
	v30 =	vmin.f32 v24, v25;
	v24 =	vmax.f32 v24, v25  }
0x83: {  	v32 =	vld [tilespmem:s16+$0x100];
	v22 =	vmax.f32 v22, v30;
	v25 =	vmin.f32 v23, v26;
	v23 =	vmax.f32 v23, v26  }
0x84: {  	v33 =	vld [tilespmem:s16+$0x110];
	v21 =	vmax.f32 v21, v25;
	v26 =	vmin.f32 v18, v27;
	v18 =	vmax.f32 v18, v27  }
.Ltmp6:
0x85: {  	v25 =	vld [tilespmem:s16+$0x120];
	v19 =	vmax.f32 v19, v26;
	v30 =	vmin.f32 v16, v28;
	v16 =	vmax.f32 v16, v28;
	(pc) =	sbr.rel @p0 .LBB2_14-.Ltmp6, $4  }
0x86: {  	v20 =	vmax.f32 v20, v8;
	v26 =	vld [tilespmem:s16+$0x130];
	v28 =	vmin.f32 v14, v29;
	v14 =	vmax.f32 v14, v29  }
0x87: {  	v17 =	vmax.f32 v17, v30;
	v27 =	vld [tilespmem:s16+$0x140];
	v29 =	vmin.f32 v20, v31;
	v15 =	vmax.f32 v15, v28;
	v8 =	vmovc v31  }
0x88: {  	v30 =	vmin.f32 v9, v32;
	v9 =	vmax.f32 v9, v32;
	v28 =	vld [tilespmem:s16+$0x150];
	v12 =	vmax.f32 v12, v29  }
0x89: {  	v11 =	vmax.f32 v11, v30;
	v30 =	vmin.f32 v10, v33;
	v10 =	vmax.f32 v10, v33;
	v29 =	vld [tilespmem:s16+$0x160];
	s16 =	sshra.s32 s17, $0x2;
	s17 =	sadd.s32 $0x800, s17  }
0x8a: {  	v31 =	vld [tilespmem:s16+$0x170]  }
0x8b: {  	v32 =	vld [tilespmem:s16+$0x100]  }
0x8c: {  	v33 =	vld [tilespmem:s16+$0x110];
	v13 =	vmax.f32 v13, v30;
	v30 =	vmax.f32 v24, v25;
	v24 =	vmin.f32 v24, v25  }
0x8d: {  	v25 =	vld [tilespmem:s16+$0x120];
	v22 =	vmax.f32 v22, v24;
	v24 =	vmax.f32 v23, v26;
	v23 =	vmin.f32 v23, v26  }
0x8e: {  	v26 =	vld [tilespmem:s16+$0x130];
	v21 =	vmax.f32 v21, v23;
	v23 =	vmax.f32 v18, v27;
	v18 =	vmin.f32 v18, v27  }
0x8f: {  	v20 =	vmax.f32 v20, v8;
	v27 =	vld [tilespmem:s16+$0x140];
	v19 =	vmax.f32 v19, v18;
	v34 =	vmax.f32 v16, v28  }
0x90: {  	v16 =	vmin.f32 v16, v28;
	v28 =	vld [tilespmem:s16+$0x150];
	v35 =	vmax.f32 v14, v29;
	v14 =	vmin.f32 v14, v29  }
0x91: {  	v29 =	vld [tilespmem:s16+$0x160];
	v36 =	vmax.f32 v17, v16;
	_ =	swait.ge [sflag:s12], $0x4000;
	v8 =	vmin.f32 v20, v31;
	v15 =	vmax.f32 v15, v14  }
0x92: {  	v37 =	vmax.f32 v9, v32;
	v9 =	vmin.f32 v9, v32;
	[sflag:s12] =	ssyncset.done $0x0;
	v39 =	vmax.f32 v10, v33  }
0x93: {  	s18 =	simm.s32 $0x0;
	v63 =	vmax.f32 v12, v8;
	v38 =	vmax.f32 v11, v9;
	v8 =	vmin.f32 v10, v33;
	[sflag:s12] =	ssyncadd.s32 $0xFFFFC000  }
0x94: {  	v10 =	vmax.f32 v30, v25;
	v9 =	vmin.f32 v30, v25;
	v16 =	vmax.f32 v13, v8;
	v8 =	vld [tilespmem:s18+$0x1F0]  }
0x95: {  	v11 =	vmax.f32 v24, v26;
	v17 =	vmax.f32 v22, v9;
	v9 =	vmin.f32 v24, v26;
	v22 =	vld [tilespmem:s18+$0x180]  }
0x96: {  	v12 =	vmax.f32 v23, v27;
	v30 =	vld [tilespmem:s18+$0x190];
	v18 =	vmax.f32 v21, v9;
	v9 =	vmin.f32 v23, v27  }
0x97: {  	v26 =	vld [tilespmem:s18+$0x1A0];
	v13 =	vmax.f32 v34, v28;
	v14 =	vmin.f32 v34, v28;
	v21 =	vmax.f32 v20, v31  }
0x98: {  	v27 =	vld [tilespmem:s18+$0x1B0];
	v19 =	vmax.f32 v19, v9;
	v9 =	vmax.f32 v35, v29;
	v23 =	vmin.f32 v35, v29  }
0x99: {  	v25 =	vld [tilespmem:s18+$0x1C0];
	v14 =	vmax.f32 v36, v14;
	v15 =	vmax.f32 v15, v23;
	v23 =	vmin.f32 v21, v8  }
0x9a: {  	v28 =	vld [tilespmem:s18+$0x1D0];
	v20 =	vmax.f32 v37, v22;
	v24 =	vmin.f32 v37, v22;
	v22 =	vmax.f32 v63, v23  }
0x9b: {  	s17 =	simm.s32 $0x1000;
	s16 =	simm.s32 $0x200;
	v29 =	vld [tilespmem:s18+$0x1E0];
	v24 =	vmax.f32 v38, v24;
	v23 =	vmax.f32 v39, v30;
	v30 =	vmin.f32 v39, v30  }
.LBB2_16:
0x9c: {  	p0 =	sne.s32 s17, $0x3F800;
	v31 =	vld [tilespmem:s16+$0x1F0];
	v16 =	vmax.f32 v16, v30;
	v30 =	vmin.f32 v10, v26;
	v10 =	vmax.f32 v10, v26  }
0x9d: {  	v32 =	vld [tilespmem:s16+$0x180];
	v17 =	vmax.f32 v17, v30;
	v26 =	vmin.f32 v11, v27;
	v11 =	vmax.f32 v11, v27  }
0x9e: {  	v33 =	vld [tilespmem:s16+$0x190];
	v18 =	vmax.f32 v18, v26;
	v27 =	vmin.f32 v12, v25;
	v12 =	vmax.f32 v12, v25  }
.Ltmp7:
0x9f: {  	v26 =	vld [tilespmem:s16+$0x1A0];
	v19 =	vmax.f32 v19, v27;
	v30 =	vmin.f32 v13, v28;
	v13 =	vmax.f32 v13, v28;
	(pc) =	sbr.rel @p0 .LBB2_16-.Ltmp7, $4  }
0xa0: {  	v21 =	vmax.f32 v21, v8;
	v27 =	vld [tilespmem:s16+$0x1B0];
	v28 =	vmin.f32 v9, v29;
	v9 =	vmax.f32 v9, v29  }
0xa1: {  	v14 =	vmax.f32 v14, v30;
	v25 =	vld [tilespmem:s16+$0x1C0];
	v29 =	vmin.f32 v21, v31;
	v15 =	vmax.f32 v15, v28;
	v8 =	vmovc v31  }
0xa2: {  	v30 =	vmin.f32 v20, v32;
	v20 =	vmax.f32 v20, v32;
	v28 =	vld [tilespmem:s16+$0x1D0];
	v22 =	vmax.f32 v22, v29  }
0xa3: {  	v24 =	vmax.f32 v24, v30;
	v30 =	vmin.f32 v23, v33;
	v23 =	vmax.f32 v23, v33;
	v29 =	vld [tilespmem:s16+$0x1E0];
	s16 =	sshra.s32 s17, $0x2;
	s17 =	sadd.s32 $0x800, s17  }
0xa4: {  	v31 =	vld [tilespmem:s16+$0x1F0]  }
0xa5: {  	v50 =	vld [tilespmem:s16+$0x180]  }
0xa6: {  	v16 =	vmax.f32 v16, v30;
	v48 =	vmin.f32 v10, v26;
	v53 =	vld [tilespmem:s16+$0x190]  }
0xa7: {  	v49 =	vmax.f32 v10, v26;
	v56 =	vld [tilespmem:s16+$0x1A0];
	v8 =	vmax.f32 v21, v8;
	v17 =	vmax.f32 v17, v48  }
0xa8: {  	v59 =	vld [tilespmem:s16+$0x1B0];
	v51 =	vmin.f32 v11, v27;
	v52 =	vmax.f32 v11, v27;
	v54 =	vmin.f32 v12, v25  }
0xa9: {  	v61 =	vld [tilespmem:s16+$0x1C0];
	v18 =	vmax.f32 v18, v51;
	v55 =	vmax.f32 v12, v25;
	v19 =	vmax.f32 v19, v54  }
0xaa: {  	v33 =	vld [tilespmem:s16+$0x1D0];
	v57 =	vmax.f32 v13, v28;
	v58 =	vmin.f32 v13, v28;
	v32 =	vmax.f32 v9, v29  }
0xab: {  	v35 =	vld [tilespmem:s16+$0x1E0];
	v60 =	vmin.f32 v9, v29;
	v13 =	vmax.f32 v14, v58;
	v62 =	vmin.f32 v8, v31  }
0xac: {  	v9 =	vmax.f32 v15, v60;
	v63 =	vmax.f32 v20, v50;
	v26 =	vmin.f32 v20, v50  }
0xad: {  	v34 =	vmin.f32 v23, v53;
	v36 =	vmax.f32 v23, v53;
	v37 =	vmin.f32 v49, v56  }
0xae: {  	v10 =	vmax.f32 v49, v56;
	v38 =	vmin.f32 v52, v59;
	v11 =	vmax.f32 v52, v59  }
0xaf: {  	v39 =	vmin.f32 v55, v61;
	v12 =	vmax.f32 v55, v61;
	v40 =	vmax.f32 v57, v33  }
0xb0: {  	v20 =	vmin.f32 v57, v33;
	v41 =	vmax.f32 v32, v35;
	v42 =	vmin.f32 v32, v35  }
0xb1: {  	v8 =	vmax.f32 v8, v31;
	v22 =	vmax.f32 v22, v62;
	v15 =	vmax.f32 v24, v26  }
0xb2: {  	v16 =	vmax.f32 v16, v34;
	v17 =	vmax.f32 v17, v37;
	v18 =	vmax.f32 v18, v38  }
0xb3: {  	v19 =	vmax.f32 v19, v39;
	v13 =	vmax.f32 v13, v20;
	v9 =	vmax.f32 v9, v42  }
0xb4: {  	v43 =	vmax.f32 v63, v36;
	v14 =	vmin.f32 v63, v36;
	v44 =	vmax.f32 v10, v11  }
0xb5: {  	v10 =	vmin.f32 v10, v11;
	v46 =	vmin.f32 v12, v40;
	v47 =	vmax.f32 v12, v40  }
0xb6: {  	v49 =	vmax.f32 v41, v8;
	v8 =	vmin.f32 v41, v8;
	v15 =	vmax.f32 v15, v16  }
0xb7: {  	v45 =	vmax.f32 v17, v18;
	v13 =	vmax.f32 v19, v13;
	v9 =	vmax.f32 v9, v22  }
0xb8: {  	v50 =	vmax.f32 v43, v44;
	v51 =	vmin.f32 v47, v49;
	v14 =	vmax.f32 v14, v15  }
0xb9: {  	v10 =	vmax.f32 v10, v45;
	v48 =	vmax.f32 v46, v13;
	v8 =	vmax.f32 v8, v9  }
0xba: {  	v15 =	vmin.f32 v43, v44;
	v10 =	vmax.f32 v14, v10;
	v8 =	vmax.f32 v48, v8  }
0xbb: {  	v11 =	vmax.f32 v47, v49;
	v10 =	vmax.f32 v15, v10;
	v8 =	vmax.f32 v51, v8  }
0xbc: {  	v52 =	vmin.f32 v50, v11;
	v8 =	vmax.f32 v10, v8  }
0xbd: {  	v9 =	vmax.f32 v50, v11;
	v8 =	vmax.f32 v52, v8  }
0xbe: {  	v53 =	vperm.xlane v9, v0;
	v54 =	vperm.xlane v8, v0;
	_ =	sdelay $0x1  }
0xbf: {  	v55 =	vmin.f32 v9, v53;
	v8 =	vmax.f32 v8, v54  }
0xc0: {  	v9 =	vmax.f32 v9, v53;
	v8 =	vmax.f32 v55, v8  }
0xc1: {  	v10 =	vperm.xlane v9, v1;
	v56 =	vperm.xlane v8, v1;
	_ =	sdelay $0x1  }
0xc2: {  	v57 =	vmin.f32 v9, v10;
	v8 =	vmax.f32 v8, v56  }
0xc3: {  	v9 =	vmax.f32 v9, v10;
	v8 =	vmax.f32 v57, v8  }
0xc4: {  	v10 =	vperm.xlane v9, v2;
	v58 =	vperm.xlane v8, v2;
	_ =	sdelay $0x1  }
0xc5: {  	v59 =	vmin.f32 v9, v10;
	v8 =	vmax.f32 v8, v58  }
0xc6: {  	v60 =	vmax.f32 v9, v10;
	v8 =	vmax.f32 v59, v8  }
0xc7: {  	v61 =	vperm.xlane v60, v3;
	v62 =	vperm.xlane v8, v3  }
0xc8: {  	v5 =	vmin.f32 v5, v7;
	v4 =	vmax.f32 v4, v6  }
0xc9: {  	v4 =	vmax.f32 v5, v4;
	v5 =	vmin.f32 v60, v61;
	v63 =	vmax.f32 v8, v62  }
0xca: {  	s15 =	sadd.s32 $0x1, s15;
	v4 =	vnsel vm1, $0x0, v4;
	v5 =	vmax.f32 v5, v63  }
0xcb: {  	p0 =	sne.s32 s15, s8;
	v4 =	vsel vm0, v4, v5  }
.Ltmp8:
0xcc: {  	[tilespmem:$0x10000] =	vst v4;
	(pc) =	sbr.rel @p0 .LBB2_1-.Ltmp8, $4  }
0xcd: {  	[hbm4b:s7+s0] =	stream.linear.scatter [tilespmem:s13], [sflag:$0x5], $0x80, $0x38;
	[tilespmem:$0x10080] =	vst v63  }
0xce: {  	_ =	swait.ge [sflag:s14], $0x80  }
0xcf: {  	[sflag:s14] =	ssyncset.done $0x0  }
0xd0: {  	[sflag:s14] =	ssyncadd.s32 $0xFFFFFF80  }
0xd1: {  	_ =	sfence.sel $0x180000  }
0xd2: {  	[bflag:$0x0] =	sbarrier.arrive $0xFFFF  }
0xd3: {  	p0 =	sne.s32 s1, $0x0;
	_ =	strace $0x90000047  }
0xd4: {  	s0 =	sadd.s32 @!p0 $0x100000, s2;
	[bflag:$0x2] =	sbarrier.arrive $0xFFFF  }
0xd5: {  	[sflag:s0] =	ssyncadd.tile.s32 @!p0 $0x1;
	_ =	shalt  }
.Lfunc_end2:
_tile_overlayer_lowered:
.L_overlay_start_2:
0xd6: {  	(tag) =	ssettag $0x2  }
0xd7: {  	s0 =	rddreg [dreg:$0x0];
	s2 =	stileid.u32  }
0xd8: {  	s1 =	rddreg [dreg:$0x1];
	p0 =	sne.s32 s2, $0x0  }
0xd9: {  	s3 =	rddreg [dreg:$0x2];
	[bflag:$0x3] =	sbarrier.arrive $0xFFFF;
	s2 =	simm.s32 @!p0 $0x1C05  }
0xda: {  	[timem:s3], [sflag:s2] =	dma.local @!p0 [hbm:s0], s1  }
0xdb: {  	s0 =	simm.s32 @!p0 $0x5  }
0xdc: {  	_ =	swait.ge @!p0 [sflag:s0], s1  }
0xdd: {  	s1 =	ssub.s32 @!p0 $0x0, s1;
	[sflag:s0] =	ssyncset.done @!p0 $0x0  }
0xde: {  	[sflag:s0] =	ssyncadd.s32 @!p0 s1  }
0xdf: {  	[bflag:$0x3] =	sbarrier.arrive $0xFFFF  }
0xe0: {  	_ =	shalt  }

</sc_bundles>
